<compile_context>
chip_gen: v7x
topology: tpu7x:2x2x1
jax: 0.10.2.dev20260603
libtpu: 0.0.44.dev20260713+nightly
codegen_flags: <defaults>
</compile_context>

<pallas_src>
import functools

import jax
import jax.numpy as jnp
from jax import lax
from jax.experimental import pallas as pl
from jax.experimental.pallas import tpu as pltpu
from jax.experimental.pallas import tpu_sc as plsc

CHUNK = 125
NUM_CORES = 2
NUM_SUBCORES = 16
NW = NUM_CORES * NUM_SUBCORES


def _sc_segment_sum(x, e4, acc_rows, n_chunks):
    n_nodes, feat = x.shape
    rpt = acc_rows // NUM_SUBCORES
    lanes = feat // 16

    mesh = plsc.VectorSubcoreMesh(core_axis_name="c", subcore_axis_name="s")

    @functools.partial(
        pl.kernel,
        mesh=mesh,
        out_type=jax.ShapeDtypeStruct((NUM_CORES, acc_rows, feat), jnp.float32),
        scratch_types=[
            pltpu.VMEM((n_chunks // 2, CHUNK), jnp.int32),
            pltpu.VMEM((n_chunks // 2, CHUNK), jnp.int32),
            [pltpu.VMEM((CHUNK, feat), jnp.float32) for _ in range(2)],
            pltpu.VMEM_SHARED((acc_rows, feat), jnp.float32),
            [pltpu.SemaphoreType.DMA for _ in range(2)],
            [pltpu.SemaphoreType.DMA for _ in range(2)],
        ],
    )
    def seg_sum(x_hbm, e4_hbm, out_hbm,
                src_v, dst_v, bufs, acc_sh, sem_g, sem_s):
        rows_v = bufs[0]
        c = lax.axis_index("c")
        s = lax.axis_index("s")
        wid = c * NUM_SUBCORES + s

        zrows = 120
        zero_v = jnp.zeros((16,), jnp.float32)

        def zero_row(r, carry):
            for l in range(lanes):
                rows_v[r, pl.ds(l * 16, 16)] = zero_v
            return carry

        lax.fori_loop(0, zrows, zero_row, 0)
        base = s * rpt
        off = 0
        while off < rpt:
            n = min(zrows, rpt - off)
            pltpu.sync_copy(rows_v.at[pl.ds(0, n)],
                            acc_sh.at[pl.ds(base + off, n)])
            off += n

        plsc.subcore_barrier()

        ph_chunks = n_chunks // 2
        n_pairs = ph_chunks // 2
        for phase in range(2):
            pltpu.sync_copy(
                e4_hbm.at[0, wid, pl.ds(phase * ph_chunks, ph_chunks)], src_v)
            pltpu.sync_copy(
                e4_hbm.at[1, wid, pl.ds(phase * ph_chunks, ph_chunks)], dst_v)
            for b in range(2):
                pltpu.async_copy(x_hbm.at[src_v.at[b]], bufs[b], sem_g[b])

            def pair_body(i, carry):
                for b in range(2):
                    j = 2 * i + b
                    pltpu.make_async_copy(x_hbm.at[src_v.at[j]], bufs[b],
                                          sem_g[b]).wait()
                    pltpu.async_copy(bufs[b], acc_sh.at[dst_v.at[j]],
                                     sem_s[b], add=True)
                for b in range(2):
                    j = 2 * i + b
                    pltpu.make_async_copy(bufs[b], acc_sh.at[dst_v.at[j]],
                                          sem_s[b]).wait()

                    @pl.when(i < n_pairs - 1)
                    def _next_gather():
                        pltpu.async_copy(x_hbm.at[src_v.at[j + 2]], bufs[b],
                                         sem_g[b])
                return carry

            lax.fori_loop(0, n_pairs, pair_body, 0)
        plsc.subcore_barrier()
        pltpu.sync_copy(acc_sh.at[pl.ds(base, rpt)],
                        out_hbm.at[c, pl.ds(base, rpt)])

    return seg_sum(x, e4)


def _tc_finish(partials, x, w_cat, bias2d, blk):
    n_nodes, feat = x.shape

    def body(p0_ref, p1_ref, x_ref, wc_ref, b_ref, o_ref):
        agg = p0_ref[0] + p1_ref[0]
        xa = jnp.concatenate([agg, x_ref[...]], axis=-1)
        h = jnp.dot(xa, wc_ref[...], preferred_element_type=jnp.float32)
        o_ref[...] = jnp.maximum(h + b_ref[...], 0.0)

    grid = (n_nodes // blk,)
    p0_spec = pl.BlockSpec((1, blk, feat), lambda i: (0, i, 0))
    p1_spec = pl.BlockSpec((1, blk, feat), lambda i: (1, i, 0))
    row_spec = pl.BlockSpec((blk, feat), lambda i: (i, 0))
    wc_spec = pl.BlockSpec((2 * feat, feat), lambda i: (0, 0))
    bias_spec = pl.BlockSpec((1, feat), lambda i: (0, 0))
    return pl.pallas_call(
        body,
        grid=grid,
        in_specs=[p0_spec, p1_spec, row_spec, wc_spec, bias_spec],
        out_specs=row_spec,
        out_shape=jax.ShapeDtypeStruct((n_nodes, feat), jnp.float32),
    )(partials, partials, x, w_cat, bias2d)


def kernel(x, edge_index, W_self, W_rel, bias):
    n_nodes, feat = x.shape
    n_edges = edge_index.shape[1]

    per_w = n_edges // NW
    n_chunks = per_w // CHUNK
    assert per_w * NW == n_edges and n_chunks * CHUNK == per_w
    e4 = edge_index.astype(jnp.int32).reshape(2, NW, n_chunks, CHUNK)

    acc_rows = -(-n_nodes // (NUM_SUBCORES * 8)) * (NUM_SUBCORES * 8)

    partials = _sc_segment_sum(x, e4, acc_rows, n_chunks)

    blk = 2000
    bias2d = bias.reshape(1, feat)
    w_cat = jnp.concatenate([W_rel, W_self], axis=0)
    return _tc_finish(partials, x, w_cat, bias2d, blk)

# --- scband reference (transcript-rebuilt; emitter-appended) ---
"""Pipeline reference for scband-hetero-rginlayer-49606872269197 (READ-ONLY COPY).

The authoritative reference and input builder live on the scoring server;
editing this copy changes nothing except your own understanding.
"""

import jax, jax.numpy as jnp
import numpy as np

N_NODES = 10000
N_EDGES = 320000
IN_SIZE = 128
OUT_SIZE = 128
EPSILON = 0.0


def setup_inputs(seed: int = 0) -> dict:
    key = jax.random.key(seed)
    k1, k2, k3, k4, k5 = jax.random.split(key, 5)
    x = jax.random.normal(k1, (N_NODES, IN_SIZE), dtype=jnp.float32)
    edge_index = jax.random.randint(k2, (2, N_EDGES), 0, N_NODES, dtype=jnp.int64)
    # xavier_uniform with gain for relu = sqrt(2)
    gain = float(np.sqrt(2.0))
    limit = gain * float(np.sqrt(6.0 / (IN_SIZE + OUT_SIZE)))
    W_self = jax.random.uniform(k3, (IN_SIZE, OUT_SIZE), minval=-limit, maxval=limit, dtype=jnp.float32)
    W_rel = jax.random.uniform(k4, (IN_SIZE, OUT_SIZE), minval=-limit, maxval=limit, dtype=jnp.float32)
    uni_bound = float(np.sqrt(1.0 / IN_SIZE))
    bias = jax.random.uniform(k5, (OUT_SIZE,), minval=-uni_bound, maxval=uni_bound, dtype=jnp.float32)
    return {"x": x, "edge_index": edge_index, "W_self": W_self, "W_rel": W_rel, "bias": bias}


def reference(x, edge_index, W_self, W_rel, bias):
    # etype 'self_loop0': edges are (i, i) for every node; message = (1+eps) * x @ W_self
    msg_self = ((1.0 + EPSILON) * x) @ W_self
    # copy_u + sum over self-loop edges -> msg_self lands at each node itself
    # etype 'rel0': message = x @ W_rel, scatter-add by dst node
    msg_rel = x @ W_rel
    src = edge_index[0]
    dst = edge_index[1]
    agg_rel = jax.ops.segment_sum(jnp.take(msg_rel, src, axis=0), dst, num_segments=N_NODES)
    # multi_update_all cross-etype reducer 'sum'
    h = agg_rel + msg_self
    # h = activation(h + bias)
    h = jax.nn.relu(h + bias)
    # mlp is None, batch_norm is None
    # h = dropout(activation(h)); dropout_rate=0.0 -> identity
    h = jax.nn.relu(h)
    return h

if __name__ == "__main__":
    import jax
    _d = setup_inputs()
    print(jax.jit(kernel)(*tuple(_d.values())))

</pallas_src>

<mosaic_0001>
#map = affine_map<(d0, d1) -> (0, 0)>
#map1 = affine_map<(d0, d1) -> (0, 0, 0, 0)>
#map2 = affine_map<(d0, d1) -> (0, 0, 0)>
module attributes {stable_mosaic.version = 14 : i64} {
  func.func @seg_sum(%arg0: i32, %arg1: i32, %arg2: memref<10000x128xf32, #tpu.memory_space<hbm>>, %arg3: memref<2x32x80x125xi32, #tpu.memory_space<hbm>>, %arg4: memref<2x10112x128xf32, #tpu.memory_space<hbm>>, %arg5: memref<40x125xi32, #tpu.memory_space<vmem>>, %arg6: memref<40x125xi32, #tpu.memory_space<vmem>>, %arg7: memref<125x128xf32, #tpu.memory_space<vmem>>, %arg8: memref<125x128xf32, #tpu.memory_space<vmem>>, %arg9: memref<10112x128xf32, #tpu.memory_space<vmem_shared>>, %arg10: memref<!tpu.dma_semaphore, #tpu.memory_space<semaphore_mem>>, %arg11: memref<!tpu.dma_semaphore, #tpu.memory_space<semaphore_mem>>, %arg12: memref<!tpu.dma_semaphore, #tpu.memory_space<semaphore_mem>>, %arg13: memref<!tpu.dma_semaphore, #tpu.memory_space<semaphore_mem>>) attributes {dimension_semantics = [#tpu.dimension_semantics<core_parallel>, #tpu.dimension_semantics<subcore_parallel>], iteration_bounds = array<i64: 2, 16>, scalar_prefetch = 0 : i64, scratch_operands = 9 : i64, tpu.core_type = #tpu.core_type<sc_vector_subcore>, window_params = [{transform_indices = #map}, {transform_indices = #map1}, {transform_indices = #map2}]} {
    %mul3A = arith.constant 16 : i32
    %mul3A_0 = arith.muli %arg0, %mul3A : i32
    %add3A = arith.addi %mul3A_0, %arg1 : i32
    %broadcast_in_dim3A = arith.constant 0.000000e+00 : f32
    %broadcast_in_dim3A_1 = vector.broadcast %broadcast_in_dim3A : f32 to vector<16xf32>
    %scan3A = arith.constant 0 : i32
    %scan3A_2 = arith.constant 0 : i32
    %scan3A_3 = arith.constant 120 : i32
    %scan3A_4 = arith.addi %scan3A_2, %scan3A_3 : i32
    %scan3A_5 = arith.constant 1 : i32
    scf.for %scan3A_64 = %scan3A_2 to %scan3A_4 step %scan3A_5  : i32 {
      %swap3A = arith.index_cast %scan3A_64 : i32 to index
      %swap3A_65 = arith.constant 0 : index
      %swap3A_66 = tpu.vector_load %arg7[%swap3A, %swap3A_65] {strides = array<i32>} : memref<125x128xf32, #tpu.memory_space<vmem>>, vector<1x16xf32>,
      %swap3A_67 = vector.shape_cast %swap3A_66 : vector<1x16xf32> to vector<16xf32>
      %swap3A_68 = vector.shape_cast %broadcast_in_dim3A_1 : vector<16xf32> to vector<1x16xf32>
      tpu.vector_store %arg7[%swap3A, %swap3A_65], %swap3A_68 {strides = array<i32>} : memref<125x128xf32, #tpu.memory_space<vmem>>, vector<1x16xf32>,
      %swap3A_69 = arith.index_cast %scan3A_64 : i32 to index
      %swap3A_70 = arith.constant 16 : index
      %swap3A_71 = tpu.vector_load %arg7[%swap3A_69, %swap3A_70] {strides = array<i32>} : memref<125x128xf32, #tpu.memory_space<vmem>>, vector<1x16xf32>,
      %swap3A_72 = vector.shape_cast %swap3A_71 : vector<1x16xf32> to vector<16xf32>
      %swap3A_73 = vector.shape_cast %broadcast_in_dim3A_1 : vector<16xf32> to vector<1x16xf32>
      tpu.vector_store %arg7[%swap3A_69, %swap3A_70], %swap3A_73 {strides = array<i32>} : memref<125x128xf32, #tpu.memory_space<vmem>>, vector<1x16xf32>,
      %swap3A_74 = arith.index_cast %scan3A_64 : i32 to index
      %swap3A_75 = arith.constant 32 : index
      %swap3A_76 = tpu.vector_load %arg7[%swap3A_74, %swap3A_75] {strides = array<i32>} : memref<125x128xf32, #tpu.memory_space<vmem>>, vector<1x16xf32>,
      %swap3A_77 = vector.shape_cast %swap3A_76 : vector<1x16xf32> to vector<16xf32>
      %swap3A_78 = vector.shape_cast %broadcast_in_dim3A_1 : vector<16xf32> to vector<1x16xf32>
      tpu.vector_store %arg7[%swap3A_74, %swap3A_75], %swap3A_78 {strides = array<i32>} : memref<125x128xf32, #tpu.memory_space<vmem>>, vector<1x16xf32>,
      %swap3A_79 = arith.index_cast %scan3A_64 : i32 to index
      %swap3A_80 = arith.constant 48 : index
      %swap3A_81 = tpu.vector_load %arg7[%swap3A_79, %swap3A_80] {strides = array<i32>} : memref<125x128xf32, #tpu.memory_space<vmem>>, vector<1x16xf32>,
      %swap3A_82 = vector.shape_cast %swap3A_81 : vector<1x16xf32> to vector<16xf32>
      %swap3A_83 = vector.shape_cast %broadcast_in_dim3A_1 : vector<16xf32> to vector<1x16xf32>
      tpu.vector_store %arg7[%swap3A_79, %swap3A_80], %swap3A_83 {strides = array<i32>} : memref<125x128xf32, #tpu.memory_space<vmem>>, vector<1x16xf32>,
      %swap3A_84 = arith.index_cast %scan3A_64 : i32 to index
      %swap3A_85 = arith.constant 64 : index
      %swap3A_86 = tpu.vector_load %arg7[%swap3A_84, %swap3A_85] {strides = array<i32>} : memref<125x128xf32, #tpu.memory_space<vmem>>, vector<1x16xf32>,
      %swap3A_87 = vector.shape_cast %swap3A_86 : vector<1x16xf32> to vector<16xf32>
      %swap3A_88 = vector.shape_cast %broadcast_in_dim3A_1 : vector<16xf32> to vector<1x16xf32>
      tpu.vector_store %arg7[%swap3A_84, %swap3A_85], %swap3A_88 {strides = array<i32>} : memref<125x128xf32, #tpu.memory_space<vmem>>, vector<1x16xf32>,
      %swap3A_89 = arith.index_cast %scan3A_64 : i32 to index
      %swap3A_90 = arith.constant 80 : index
      %swap3A_91 = tpu.vector_load %arg7[%swap3A_89, %swap3A_90] {strides = array<i32>} : memref<125x128xf32, #tpu.memory_space<vmem>>, vector<1x16xf32>,
      %swap3A_92 = vector.shape_cast %swap3A_91 : vector<1x16xf32> to vector<16xf32>
      %swap3A_93 = vector.shape_cast %broadcast_in_dim3A_1 : vector<16xf32> to vector<1x16xf32>
      tpu.vector_store %arg7[%swap3A_89, %swap3A_90], %swap3A_93 {strides = array<i32>} : memref<125x128xf32, #tpu.memory_space<vmem>>, vector<1x16xf32>,
      %swap3A_94 = arith.index_cast %scan3A_64 : i32 to index
      %swap3A_95 = arith.constant 96 : index
      %swap3A_96 = tpu.vector_load %arg7[%swap3A_94, %swap3A_95] {strides = array<i32>} : memref<125x128xf32, #tpu.memory_space<vmem>>, vector<1x16xf32>,
      %swap3A_97 = vector.shape_cast %swap3A_96 : vector<1x16xf32> to vector<16xf32>
      %swap3A_98 = vector.shape_cast %broadcast_in_dim3A_1 : vector<16xf32> to vector<1x16xf32>
      tpu.vector_store %arg7[%swap3A_94, %swap3A_95], %swap3A_98 {strides = array<i32>} : memref<125x128xf32, #tpu.memory_space<vmem>>, vector<1x16xf32>,
      %swap3A_99 = arith.index_cast %scan3A_64 : i32 to index
      %swap3A_100 = arith.constant 112 : index
      %swap3A_101 = tpu.vector_load %arg7[%swap3A_99, %swap3A_100] {strides = array<i32>} : memref<125x128xf32, #tpu.memory_space<vmem>>, vector<1x16xf32>,
      %swap3A_102 = vector.shape_cast %swap3A_101 : vector<1x16xf32> to vector<16xf32>
      %swap3A_103 = vector.shape_cast %broadcast_in_dim3A_1 : vector<16xf32> to vector<1x16xf32>
      tpu.vector_store %arg7[%swap3A_99, %swap3A_100], %swap3A_103 {strides = array<i32>} : memref<125x128xf32, #tpu.memory_space<vmem>>, vector<1x16xf32>,
    }
    %scan3A_6 = arith.constant 120 : i32
    %mul3A_7 = arith.constant 632 : i32
    %mul3A_8 = arith.muli %arg1, %mul3A_7 : i32
    %add3A_9 = arith.constant 0 : i32
    %add3A_10 = arith.addi %mul3A_8, %add3A_9 : i32
    "tpu.region"() ({
      %run_scoped3A_64 = tpu.sem_alloc : memref<!tpu.dma_semaphore, #tpu.memory_space<semaphore_mem>>
      %dma_start3A_65 = arith.constant 0 : i32
      %dma_start3A_66 = arith.constant 0 : i32
      %dma_start3A_67 = tpu.memref_slice %arg7[%dma_start3A_65, %dma_start3A_66] : memref<125x128xf32, #tpu.memory_space<vmem>> -> memref<120x128xf32, #tpu.memory_space<vmem>>
      %dma_start3A_68 = arith.constant 0 : i32
      %dma_start3A_69 = tpu.memref_slice %arg9[%add3A_10, %dma_start3A_68] : memref<10112x128xf32, #tpu.memory_space<vmem_shared>> -> memref<120x128xf32, #tpu.memory_space<vmem_shared>>
      %dma_start3A_70 = arith.constant 0 : i32
      %dma_start3A_71 = tpu.memref_slice %arg9[%add3A_10, %dma_start3A_70] : memref<10112x128xf32, #tpu.memory_space<vmem_shared>> -> memref<120x128xf32, #tpu.memory_space<vmem_shared>>
      %dma_start3A_72 = arith.constant 0 : i32
      %dma_start3A_73 = arith.constant 0 : i32
      %dma_start3A_74 = tpu.memref_slice %arg7[%dma_start3A_72, %dma_start3A_73] : memref<125x128xf32, #tpu.memory_space<vmem>> -> memref<120x128xf32, #tpu.memory_space<vmem>>
      tpu.enqueue_dma source(%dma_start3A_74 : memref<120x128xf32, #tpu.memory_space<vmem>>) target(%dma_start3A_71 : memref<120x128xf32, #tpu.memory_space<vmem_shared>>) target_semaphore(%run_scoped3A_64 : memref<!tpu.dma_semaphore, #tpu.memory_space<semaphore_mem>>)
      %dma_wait3A = arith.constant 0 : i32
      %dma_wait3A_75 = arith.constant 0 : i32
      %dma_wait3A_76 = tpu.memref_slice %arg7[%dma_wait3A, %dma_wait3A_75] : memref<125x128xf32, #tpu.memory_space<vmem>> -> memref<120x128xf32, #tpu.memory_space<vmem>>
      %dma_wait3A_77 = arith.constant 0 : i32
      %dma_wait3A_78 = tpu.memref_slice %arg9[%add3A_10, %dma_wait3A_77] : memref<10112x128xf32, #tpu.memory_space<vmem_shared>> -> memref<120x128xf32, #tpu.memory_space<vmem_shared>>
      %dma_wait3A_79 = arith.constant 0 : i32
      %dma_wait3A_80 = tpu.memref_slice %arg9[%add3A_10, %dma_wait3A_79] : memref<10112x128xf32, #tpu.memory_space<vmem_shared>> -> memref<120x128xf32, #tpu.memory_space<vmem_shared>>
      %dma_wait3A_81 = arith.constant 0 : i32
      %dma_wait3A_82 = arith.constant 0 : i32
      %dma_wait3A_83 = tpu.memref_slice %arg7[%dma_wait3A_81, %dma_wait3A_82] : memref<125x128xf32, #tpu.memory_space<vmem>> -> memref<120x128xf32, #tpu.memory_space<vmem>>
      tpu.wait_dma2 semaphore(%run_scoped3A_64 : memref<!tpu.dma_semaphore, #tpu.memory_space<semaphore_mem>>) src(%dma_wait3A_83 : memref<120x128xf32, #tpu.memory_space<vmem>>) dst(%dma_wait3A_80 : memref<120x128xf32, #tpu.memory_space<vmem_shared>>)
      tpu.yield
    }) : () -> ()
    %add3A_11 = arith.constant 120 : i32
    %add3A_12 = arith.addi %mul3A_8, %add3A_11 : i32
    "tpu.region"() ({
      %run_scoped3A_64 = tpu.sem_alloc : memref<!tpu.dma_semaphore, #tpu.memory_space<semaphore_mem>>
      %dma_start3A_65 = arith.constant 0 : i32
      %dma_start3A_66 = arith.constant 0 : i32
      %dma_start3A_67 = tpu.memref_slice %arg7[%dma_start3A_65, %dma_start3A_66] : memref<125x128xf32, #tpu.memory_space<vmem>> -> memref<120x128xf32, #tpu.memory_space<vmem>>
      %dma_start3A_68 = arith.constant 0 : i32
      %dma_start3A_69 = tpu.memref_slice %arg9[%add3A_12, %dma_start3A_68] : memref<10112x128xf32, #tpu.memory_space<vmem_shared>> -> memref<120x128xf32, #tpu.memory_space<vmem_shared>>
      %dma_start3A_70 = arith.constant 0 : i32
      %dma_start3A_71 = tpu.memref_slice %arg9[%add3A_12, %dma_start3A_70] : memref<10112x128xf32, #tpu.memory_space<vmem_shared>> -> memref<120x128xf32, #tpu.memory_space<vmem_shared>>
      %dma_start3A_72 = arith.constant 0 : i32
      %dma_start3A_73 = arith.constant 0 : i32
      %dma_start3A_74 = tpu.memref_slice %arg7[%dma_start3A_72, %dma_start3A_73] : memref<125x128xf32, #tpu.memory_space<vmem>> -> memref<120x128xf32, #tpu.memory_space<vmem>>
      tpu.enqueue_dma source(%dma_start3A_74 : memref<120x128xf32, #tpu.memory_space<vmem>>) target(%dma_start3A_71 : memref<120x128xf32, #tpu.memory_space<vmem_shared>>) target_semaphore(%run_scoped3A_64 : memref<!tpu.dma_semaphore, #tpu.memory_space<semaphore_mem>>)
      %dma_wait3A = arith.constant 0 : i32
      %dma_wait3A_75 = arith.constant 0 : i32
      %dma_wait3A_76 = tpu.memref_slice %arg7[%dma_wait3A, %dma_wait3A_75] : memref<125x128xf32, #tpu.memory_space<vmem>> -> memref<120x128xf32, #tpu.memory_space<vmem>>
      %dma_wait3A_77 = arith.constant 0 : i32
      %dma_wait3A_78 = tpu.memref_slice %arg9[%add3A_12, %dma_wait3A_77] : memref<10112x128xf32, #tpu.memory_space<vmem_shared>> -> memref<120x128xf32, #tpu.memory_space<vmem_shared>>
      %dma_wait3A_79 = arith.constant 0 : i32
      %dma_wait3A_80 = tpu.memref_slice %arg9[%add3A_12, %dma_wait3A_79] : memref<10112x128xf32, #tpu.memory_space<vmem_shared>> -> memref<120x128xf32, #tpu.memory_space<vmem_shared>>
      %dma_wait3A_81 = arith.constant 0 : i32
      %dma_wait3A_82 = arith.constant 0 : i32
      %dma_wait3A_83 = tpu.memref_slice %arg7[%dma_wait3A_81, %dma_wait3A_82] : memref<125x128xf32, #tpu.memory_space<vmem>> -> memref<120x128xf32, #tpu.memory_space<vmem>>
      tpu.wait_dma2 semaphore(%run_scoped3A_64 : memref<!tpu.dma_semaphore, #tpu.memory_space<semaphore_mem>>) src(%dma_wait3A_83 : memref<120x128xf32, #tpu.memory_space<vmem>>) dst(%dma_wait3A_80 : memref<120x128xf32, #tpu.memory_space<vmem_shared>>)
      tpu.yield
    }) : () -> ()
    %add3A_13 = arith.constant 240 : i32
    %add3A_14 = arith.addi %mul3A_8, %add3A_13 : i32
    "tpu.region"() ({
      %run_scoped3A_64 = tpu.sem_alloc : memref<!tpu.dma_semaphore, #tpu.memory_space<semaphore_mem>>
      %dma_start3A_65 = arith.constant 0 : i32
      %dma_start3A_66 = arith.constant 0 : i32
      %dma_start3A_67 = tpu.memref_slice %arg7[%dma_start3A_65, %dma_start3A_66] : memref<125x128xf32, #tpu.memory_space<vmem>> -> memref<120x128xf32, #tpu.memory_space<vmem>>
      %dma_start3A_68 = arith.constant 0 : i32
      %dma_start3A_69 = tpu.memref_slice %arg9[%add3A_14, %dma_start3A_68] : memref<10112x128xf32, #tpu.memory_space<vmem_shared>> -> memref<120x128xf32, #tpu.memory_space<vmem_shared>>
      %dma_start3A_70 = arith.constant 0 : i32
      %dma_start3A_71 = tpu.memref_slice %arg9[%add3A_14, %dma_start3A_70] : memref<10112x128xf32, #tpu.memory_space<vmem_shared>> -> memref<120x128xf32, #tpu.memory_space<vmem_shared>>
      %dma_start3A_72 = arith.constant 0 : i32
      %dma_start3A_73 = arith.constant 0 : i32
      %dma_start3A_74 = tpu.memref_slice %arg7[%dma_start3A_72, %dma_start3A_73] : memref<125x128xf32, #tpu.memory_space<vmem>> -> memref<120x128xf32, #tpu.memory_space<vmem>>
      tpu.enqueue_dma source(%dma_start3A_74 : memref<120x128xf32, #tpu.memory_space<vmem>>) target(%dma_start3A_71 : memref<120x128xf32, #tpu.memory_space<vmem_shared>>) target_semaphore(%run_scoped3A_64 : memref<!tpu.dma_semaphore, #tpu.memory_space<semaphore_mem>>)
      %dma_wait3A = arith.constant 0 : i32
      %dma_wait3A_75 = arith.constant 0 : i32
      %dma_wait3A_76 = tpu.memref_slice %arg7[%dma_wait3A, %dma_wait3A_75] : memref<125x128xf32, #tpu.memory_space<vmem>> -> memref<120x128xf32, #tpu.memory_space<vmem>>
      %dma_wait3A_77 = arith.constant 0 : i32
      %dma_wait3A_78 = tpu.memref_slice %arg9[%add3A_14, %dma_wait3A_77] : memref<10112x128xf32, #tpu.memory_space<vmem_shared>> -> memref<120x128xf32, #tpu.memory_space<vmem_shared>>
      %dma_wait3A_79 = arith.constant 0 : i32
      %dma_wait3A_80 = tpu.memref_slice %arg9[%add3A_14, %dma_wait3A_79] : memref<10112x128xf32, #tpu.memory_space<vmem_shared>> -> memref<120x128xf32, #tpu.memory_space<vmem_shared>>
      %dma_wait3A_81 = arith.constant 0 : i32
      %dma_wait3A_82 = arith.constant 0 : i32
      %dma_wait3A_83 = tpu.memref_slice %arg7[%dma_wait3A_81, %dma_wait3A_82] : memref<125x128xf32, #tpu.memory_space<vmem>> -> memref<120x128xf32, #tpu.memory_space<vmem>>
      tpu.wait_dma2 semaphore(%run_scoped3A_64 : memref<!tpu.dma_semaphore, #tpu.memory_space<semaphore_mem>>) src(%dma_wait3A_83 : memref<120x128xf32, #tpu.memory_space<vmem>>) dst(%dma_wait3A_80 : memref<120x128xf32, #tpu.memory_space<vmem_shared>>)
      tpu.yield
    }) : () -> ()
    %add3A_15 = arith.constant 360 : i32
    %add3A_16 = arith.addi %mul3A_8, %add3A_15 : i32
    "tpu.region"() ({
      %run_scoped3A_64 = tpu.sem_alloc : memref<!tpu.dma_semaphore, #tpu.memory_space<semaphore_mem>>
      %dma_start3A_65 = arith.constant 0 : i32
      %dma_start3A_66 = arith.constant 0 : i32
      %dma_start3A_67 = tpu.memref_slice %arg7[%dma_start3A_65, %dma_start3A_66] : memref<125x128xf32, #tpu.memory_space<vmem>> -> memref<120x128xf32, #tpu.memory_space<vmem>>
      %dma_start3A_68 = arith.constant 0 : i32
      %dma_start3A_69 = tpu.memref_slice %arg9[%add3A_16, %dma_start3A_68] : memref<10112x128xf32, #tpu.memory_space<vmem_shared>> -> memref<120x128xf32, #tpu.memory_space<vmem_shared>>
      %dma_start3A_70 = arith.constant 0 : i32
      %dma_start3A_71 = tpu.memref_slice %arg9[%add3A_16, %dma_start3A_70] : memref<10112x128xf32, #tpu.memory_space<vmem_shared>> -> memref<120x128xf32, #tpu.memory_space<vmem_shared>>
      %dma_start3A_72 = arith.constant 0 : i32
      %dma_start3A_73 = arith.constant 0 : i32
      %dma_start3A_74 = tpu.memref_slice %arg7[%dma_start3A_72, %dma_start3A_73] : memref<125x128xf32, #tpu.memory_space<vmem>> -> memref<120x128xf32, #tpu.memory_space<vmem>>
      tpu.enqueue_dma source(%dma_start3A_74 : memref<120x128xf32, #tpu.memory_space<vmem>>) target(%dma_start3A_71 : memref<120x128xf32, #tpu.memory_space<vmem_shared>>) target_semaphore(%run_scoped3A_64 : memref<!tpu.dma_semaphore, #tpu.memory_space<semaphore_mem>>)
      %dma_wait3A = arith.constant 0 : i32
      %dma_wait3A_75 = arith.constant 0 : i32
      %dma_wait3A_76 = tpu.memref_slice %arg7[%dma_wait3A, %dma_wait3A_75] : memref<125x128xf32, #tpu.memory_space<vmem>> -> memref<120x128xf32, #tpu.memory_space<vmem>>
      %dma_wait3A_77 = arith.constant 0 : i32
      %dma_wait3A_78 = tpu.memref_slice %arg9[%add3A_16, %dma_wait3A_77] : memref<10112x128xf32, #tpu.memory_space<vmem_shared>> -> memref<120x128xf32, #tpu.memory_space<vmem_shared>>
      %dma_wait3A_79 = arith.constant 0 : i32
      %dma_wait3A_80 = tpu.memref_slice %arg9[%add3A_16, %dma_wait3A_79] : memref<10112x128xf32, #tpu.memory_space<vmem_shared>> -> memref<120x128xf32, #tpu.memory_space<vmem_shared>>
      %dma_wait3A_81 = arith.constant 0 : i32
      %dma_wait3A_82 = arith.constant 0 : i32
      %dma_wait3A_83 = tpu.memref_slice %arg7[%dma_wait3A_81, %dma_wait3A_82] : memref<125x128xf32, #tpu.memory_space<vmem>> -> memref<120x128xf32, #tpu.memory_space<vmem>>
      tpu.wait_dma2 semaphore(%run_scoped3A_64 : memref<!tpu.dma_semaphore, #tpu.memory_space<semaphore_mem>>) src(%dma_wait3A_83 : memref<120x128xf32, #tpu.memory_space<vmem>>) dst(%dma_wait3A_80 : memref<120x128xf32, #tpu.memory_space<vmem_shared>>)
      tpu.yield
    }) : () -> ()
    %add3A_17 = arith.constant 480 : i32
    %add3A_18 = arith.addi %mul3A_8, %add3A_17 : i32
    "tpu.region"() ({
      %run_scoped3A_64 = tpu.sem_alloc : memref<!tpu.dma_semaphore, #tpu.memory_space<semaphore_mem>>
      %dma_start3A_65 = arith.constant 0 : i32
      %dma_start3A_66 = arith.constant 0 : i32
      %dma_start3A_67 = tpu.memref_slice %arg7[%dma_start3A_65, %dma_start3A_66] : memref<125x128xf32, #tpu.memory_space<vmem>> -> memref<120x128xf32, #tpu.memory_space<vmem>>
      %dma_start3A_68 = arith.constant 0 : i32
      %dma_start3A_69 = tpu.memref_slice %arg9[%add3A_18, %dma_start3A_68] : memref<10112x128xf32, #tpu.memory_space<vmem_shared>> -> memref<120x128xf32, #tpu.memory_space<vmem_shared>>
      %dma_start3A_70 = arith.constant 0 : i32
      %dma_start3A_71 = tpu.memref_slice %arg9[%add3A_18, %dma_start3A_70] : memref<10112x128xf32, #tpu.memory_space<vmem_shared>> -> memref<120x128xf32, #tpu.memory_space<vmem_shared>>
      %dma_start3A_72 = arith.constant 0 : i32
      %dma_start3A_73 = arith.constant 0 : i32
      %dma_start3A_74 = tpu.memref_slice %arg7[%dma_start3A_72, %dma_start3A_73] : memref<125x128xf32, #tpu.memory_space<vmem>> -> memref<120x128xf32, #tpu.memory_space<vmem>>
      tpu.enqueue_dma source(%dma_start3A_74 : memref<120x128xf32, #tpu.memory_space<vmem>>) target(%dma_start3A_71 : memref<120x128xf32, #tpu.memory_space<vmem_shared>>) target_semaphore(%run_scoped3A_64 : memref<!tpu.dma_semaphore, #tpu.memory_space<semaphore_mem>>)
      %dma_wait3A = arith.constant 0 : i32
      %dma_wait3A_75 = arith.constant 0 : i32
      %dma_wait3A_76 = tpu.memref_slice %arg7[%dma_wait3A, %dma_wait3A_75] : memref<125x128xf32, #tpu.memory_space<vmem>> -> memref<120x128xf32, #tpu.memory_space<vmem>>
      %dma_wait3A_77 = arith.constant 0 : i32
      %dma_wait3A_78 = tpu.memref_slice %arg9[%add3A_18, %dma_wait3A_77] : memref<10112x128xf32, #tpu.memory_space<vmem_shared>> -> memref<120x128xf32, #tpu.memory_space<vmem_shared>>
      %dma_wait3A_79 = arith.constant 0 : i32
      %dma_wait3A_80 = tpu.memref_slice %arg9[%add3A_18, %dma_wait3A_79] : memref<10112x128xf32, #tpu.memory_space<vmem_shared>> -> memref<120x128xf32, #tpu.memory_space<vmem_shared>>
      %dma_wait3A_81 = arith.constant 0 : i32
      %dma_wait3A_82 = arith.constant 0 : i32
      %dma_wait3A_83 = tpu.memref_slice %arg7[%dma_wait3A_81, %dma_wait3A_82] : memref<125x128xf32, #tpu.memory_space<vmem>> -> memref<120x128xf32, #tpu.memory_space<vmem>>
      tpu.wait_dma2 semaphore(%run_scoped3A_64 : memref<!tpu.dma_semaphore, #tpu.memory_space<semaphore_mem>>) src(%dma_wait3A_83 : memref<120x128xf32, #tpu.memory_space<vmem>>) dst(%dma_wait3A_80 : memref<120x128xf32, #tpu.memory_space<vmem_shared>>)
      tpu.yield
    }) : () -> ()
    %add3A_19 = arith.constant 600 : i32
    %add3A_20 = arith.addi %mul3A_8, %add3A_19 : i32
    "tpu.region"() ({
      %run_scoped3A_64 = tpu.sem_alloc : memref<!tpu.dma_semaphore, #tpu.memory_space<semaphore_mem>>
      %dma_start3A_65 = arith.constant 0 : i32
      %dma_start3A_66 = arith.constant 0 : i32
      %dma_start3A_67 = tpu.memref_slice %arg7[%dma_start3A_65, %dma_start3A_66] : memref<125x128xf32, #tpu.memory_space<vmem>> -> memref<32x128xf32, #tpu.memory_space<vmem>>
      %dma_start3A_68 = arith.constant 0 : i32
      %dma_start3A_69 = tpu.memref_slice %arg9[%add3A_20, %dma_start3A_68] : memref<10112x128xf32, #tpu.memory_space<vmem_shared>> -> memref<32x128xf32, #tpu.memory_space<vmem_shared>>
      %dma_start3A_70 = arith.constant 0 : i32
      %dma_start3A_71 = tpu.memref_slice %arg9[%add3A_20, %dma_start3A_70] : memref<10112x128xf32, #tpu.memory_space<vmem_shared>> -> memref<32x128xf32, #tpu.memory_space<vmem_shared>>
      %dma_start3A_72 = arith.constant 0 : i32
      %dma_start3A_73 = arith.constant 0 : i32
      %dma_start3A_74 = tpu.memref_slice %arg7[%dma_start3A_72, %dma_start3A_73] : memref<125x128xf32, #tpu.memory_space<vmem>> -> memref<32x128xf32, #tpu.memory_space<vmem>>
      tpu.enqueue_dma source(%dma_start3A_74 : memref<32x128xf32, #tpu.memory_space<vmem>>) target(%dma_start3A_71 : memref<32x128xf32, #tpu.memory_space<vmem_shared>>) target_semaphore(%run_scoped3A_64 : memref<!tpu.dma_semaphore, #tpu.memory_space<semaphore_mem>>)
      %dma_wait3A = arith.constant 0 : i32
      %dma_wait3A_75 = arith.constant 0 : i32
      %dma_wait3A_76 = tpu.memref_slice %arg7[%dma_wait3A, %dma_wait3A_75] : memref<125x128xf32, #tpu.memory_space<vmem>> -> memref<32x128xf32, #tpu.memory_space<vmem>>
      %dma_wait3A_77 = arith.constant 0 : i32
      %dma_wait3A_78 = tpu.memref_slice %arg9[%add3A_20, %dma_wait3A_77] : memref<10112x128xf32, #tpu.memory_space<vmem_shared>> -> memref<32x128xf32, #tpu.memory_space<vmem_shared>>
      %dma_wait3A_79 = arith.constant 0 : i32
      %dma_wait3A_80 = tpu.memref_slice %arg9[%add3A_20, %dma_wait3A_79] : memref<10112x128xf32, #tpu.memory_space<vmem_shared>> -> memref<32x128xf32, #tpu.memory_space<vmem_shared>>
      %dma_wait3A_81 = arith.constant 0 : i32
      %dma_wait3A_82 = arith.constant 0 : i32
      %dma_wait3A_83 = tpu.memref_slice %arg7[%dma_wait3A_81, %dma_wait3A_82] : memref<125x128xf32, #tpu.memory_space<vmem>> -> memref<32x128xf32, #tpu.memory_space<vmem>>
      tpu.wait_dma2 semaphore(%run_scoped3A_64 : memref<!tpu.dma_semaphore, #tpu.memory_space<semaphore_mem>>) src(%dma_wait3A_83 : memref<32x128xf32, #tpu.memory_space<vmem>>) dst(%dma_wait3A_80 : memref<32x128xf32, #tpu.memory_space<vmem_shared>>)
      tpu.yield
    }) : () -> ()
    %barrier3A = arith.constant 0 : index
    tpu.barrier barrier_id(%barrier3A)
    %run_scoped3A = arith.constant 0 : i32
    "tpu.region"() ({
      %run_scoped3A_64 = tpu.sem_alloc : memref<!tpu.dma_semaphore, #tpu.memory_space<semaphore_mem>>
      %dma_start3A_65 = arith.constant 0 : i32
      %dma_start3A_66 = arith.constant 0 : i32
      %dma_start3A_67 = tpu.memref_slice %arg3[%run_scoped3A, %add3A, %dma_start3A_65, %dma_start3A_66] : memref<2x32x80x125xi32, #tpu.memory_space<hbm>> -> memref<1x1x40x125xi32, #tpu.memory_space<hbm>>
      %dma_start3A_68 = tpu.memref_squeeze %dma_start3A_67 : memref<1x1x40x125xi32, #tpu.memory_space<hbm>> -> memref<40x125xi32, #tpu.memory_space<hbm>>
      %dma_start3A_69 = arith.constant 0 : i32
      %dma_start3A_70 = arith.constant 0 : i32
      %dma_start3A_71 = tpu.memref_slice %arg3[%run_scoped3A, %add3A, %dma_start3A_69, %dma_start3A_70] : memref<2x32x80x125xi32, #tpu.memory_space<hbm>> -> memref<1x1x40x125xi32, #tpu.memory_space<hbm>>
      %dma_start3A_72 = tpu.memref_squeeze %dma_start3A_71 : memref<1x1x40x125xi32, #tpu.memory_space<hbm>> -> memref<40x125xi32, #tpu.memory_space<hbm>>
      tpu.enqueue_dma source(%dma_start3A_72 : memref<40x125xi32, #tpu.memory_space<hbm>>) target(%arg5 : memref<40x125xi32, #tpu.memory_space<vmem>>) target_semaphore(%run_scoped3A_64 : memref<!tpu.dma_semaphore, #tpu.memory_space<semaphore_mem>>)
      %dma_wait3A = arith.constant 0 : i32
      %dma_wait3A_73 = arith.constant 0 : i32
      %dma_wait3A_74 = tpu.memref_slice %arg3[%run_scoped3A, %add3A, %dma_wait3A, %dma_wait3A_73] : memref<2x32x80x125xi32, #tpu.memory_space<hbm>> -> memref<1x1x40x125xi32, #tpu.memory_space<hbm>>
      %dma_wait3A_75 = tpu.memref_squeeze %dma_wait3A_74 : memref<1x1x40x125xi32, #tpu.memory_space<hbm>> -> memref<40x125xi32, #tpu.memory_space<hbm>>
      %dma_wait3A_76 = arith.constant 0 : i32
      %dma_wait3A_77 = arith.constant 0 : i32
      %dma_wait3A_78 = tpu.memref_slice %arg3[%run_scoped3A, %add3A, %dma_wait3A_76, %dma_wait3A_77] : memref<2x32x80x125xi32, #tpu.memory_space<hbm>> -> memref<1x1x40x125xi32, #tpu.memory_space<hbm>>
      %dma_wait3A_79 = tpu.memref_squeeze %dma_wait3A_78 : memref<1x1x40x125xi32, #tpu.memory_space<hbm>> -> memref<40x125xi32, #tpu.memory_space<hbm>>
      tpu.wait_dma2 semaphore(%run_scoped3A_64 : memref<!tpu.dma_semaphore, #tpu.memory_space<semaphore_mem>>) src(%dma_wait3A_79 : memref<40x125xi32, #tpu.memory_space<hbm>>) dst(%arg5 : memref<40x125xi32, #tpu.memory_space<vmem>>)
      tpu.yield
    }) : () -> ()
    %run_scoped3A_21 = arith.constant 1 : i32
    "tpu.region"() ({
      %run_scoped3A_64 = tpu.sem_alloc : memref<!tpu.dma_semaphore, #tpu.memory_space<semaphore_mem>>
      %dma_start3A_65 = arith.constant 0 : i32
      %dma_start3A_66 = arith.constant 0 : i32
      %dma_start3A_67 = tpu.memref_slice %arg3[%run_scoped3A_21, %add3A, %dma_start3A_65, %dma_start3A_66] : memref<2x32x80x125xi32, #tpu.memory_space<hbm>> -> memref<1x1x40x125xi32, #tpu.memory_space<hbm>>
      %dma_start3A_68 = tpu.memref_squeeze %dma_start3A_67 : memref<1x1x40x125xi32, #tpu.memory_space<hbm>> -> memref<40x125xi32, #tpu.memory_space<hbm>>
      %dma_start3A_69 = arith.constant 0 : i32
      %dma_start3A_70 = arith.constant 0 : i32
      %dma_start3A_71 = tpu.memref_slice %arg3[%run_scoped3A_21, %add3A, %dma_start3A_69, %dma_start3A_70] : memref<2x32x80x125xi32, #tpu.memory_space<hbm>> -> memref<1x1x40x125xi32, #tpu.memory_space<hbm>>
      %dma_start3A_72 = tpu.memref_squeeze %dma_start3A_71 : memref<1x1x40x125xi32, #tpu.memory_space<hbm>> -> memref<40x125xi32, #tpu.memory_space<hbm>>
      tpu.enqueue_dma source(%dma_start3A_72 : memref<40x125xi32, #tpu.memory_space<hbm>>) target(%arg6 : memref<40x125xi32, #tpu.memory_space<vmem>>) target_semaphore(%run_scoped3A_64 : memref<!tpu.dma_semaphore, #tpu.memory_space<semaphore_mem>>)
      %dma_wait3A = arith.constant 0 : i32
      %dma_wait3A_73 = arith.constant 0 : i32
      %dma_wait3A_74 = tpu.memref_slice %arg3[%run_scoped3A_21, %add3A, %dma_wait3A, %dma_wait3A_73] : memref<2x32x80x125xi32, #tpu.memory_space<hbm>> -> memref<1x1x40x125xi32, #tpu.memory_space<hbm>>
      %dma_wait3A_75 = tpu.memref_squeeze %dma_wait3A_74 : memref<1x1x40x125xi32, #tpu.memory_space<hbm>> -> memref<40x125xi32, #tpu.memory_space<hbm>>
      %dma_wait3A_76 = arith.constant 0 : i32
      %dma_wait3A_77 = arith.constant 0 : i32
      %dma_wait3A_78 = tpu.memref_slice %arg3[%run_scoped3A_21, %add3A, %dma_wait3A_76, %dma_wait3A_77] : memref<2x32x80x125xi32, #tpu.memory_space<hbm>> -> memref<1x1x40x125xi32, #tpu.memory_space<hbm>>
      %dma_wait3A_79 = tpu.memref_squeeze %dma_wait3A_78 : memref<1x1x40x125xi32, #tpu.memory_space<hbm>> -> memref<40x125xi32, #tpu.memory_space<hbm>>
      tpu.wait_dma2 semaphore(%run_scoped3A_64 : memref<!tpu.dma_semaphore, #tpu.memory_space<semaphore_mem>>) src(%dma_wait3A_79 : memref<40x125xi32, #tpu.memory_space<hbm>>) dst(%arg6 : memref<40x125xi32, #tpu.memory_space<vmem>>)
      tpu.yield
    }) : () -> ()
    %dma_start3A = arith.constant 0 : i32
    %dma_start3A_22 = arith.constant 0 : i32
    %dma_start3A_23 = tpu.memref_slice %arg5[%dma_start3A, %dma_start3A_22] : memref<40x125xi32, #tpu.memory_space<vmem>> -> memref<1x125xi32, #tpu.memory_space<vmem>>
    %dma_start3A_24 = tpu.memref_squeeze %dma_start3A_23 : memref<1x125xi32, #tpu.memory_space<vmem>> -> memref<125xi32, #tpu.memory_space<vmem>>
    %dma_start3A_25 = arith.constant 0 : i32
    %dma_start3A_26 = arith.constant 0 : i32
    %dma_start3A_27 = tpu.memref_slice %arg2[%dma_start3A_25, %dma_start3A_26] : memref<10000x128xf32, #tpu.memory_space<hbm>> -> memref<10000x128xf32, #tpu.memory_space<hbm>>
    tpu.enqueue_indirect_dma source(%dma_start3A_27 : memref<10000x128xf32, #tpu.memory_space<hbm>>) target(%arg7 : memref<125x128xf32, #tpu.memory_space<vmem>>) offsets(%dma_start3A_24 : memref<125xi32, #tpu.memory_space<vmem>>) semaphore(%arg10 : memref<!tpu.dma_semaphore, #tpu.memory_space<semaphore_mem>>)
    %dma_start3A_28 = arith.constant 1 : i32
    %dma_start3A_29 = arith.constant 0 : i32
    %dma_start3A_30 = tpu.memref_slice %arg5[%dma_start3A_28, %dma_start3A_29] : memref<40x125xi32, #tpu.memory_space<vmem>> -> memref<1x125xi32, #tpu.memory_space<vmem>>
    %dma_start3A_31 = tpu.memref_squeeze %dma_start3A_30 : memref<1x125xi32, #tpu.memory_space<vmem>> -> memref<125xi32, #tpu.memory_space<vmem>>
    %dma_start3A_32 = arith.constant 0 : i32
    %dma_start3A_33 = arith.constant 0 : i32
    %dma_start3A_34 = tpu.memref_slice %arg2[%dma_start3A_32, %dma_start3A_33] : memref<10000x128xf32, #tpu.memory_space<hbm>> -> memref<10000x128xf32, #tpu.memory_space<hbm>>
    tpu.enqueue_indirect_dma source(%dma_start3A_34 : memref<10000x128xf32, #tpu.memory_space<hbm>>) target(%arg8 : memref<125x128xf32, #tpu.memory_space<vmem>>) offsets(%dma_start3A_31 : memref<125xi32, #tpu.memory_space<vmem>>) semaphore(%arg11 : memref<!tpu.dma_semaphore, #tpu.memory_space<semaphore_mem>>)
    %scan3A_35 = arith.constant 0 : i32
    %scan3A_36 = arith.constant 0 : i32
    %scan3A_37 = arith.constant 20 : i32
    %scan3A_38 = arith.addi %scan3A_36, %scan3A_37 : i32
    %scan3A_39 = arith.constant 1 : i32
    scf.for %scan3A_64 = %scan3A_36 to %scan3A_38 step %scan3A_39  : i32 {
      %mul3A_65 = arith.constant 2 : i32
      %mul3A_66 = arith.muli %mul3A_65, %scan3A_64 : i32
      %add3A_67 = arith.constant 0 : i32
      %add3A_68 = arith.addi %mul3A_66, %add3A_67 : i32
      %dma_wait3A = arith.constant 0 : i32
      %dma_wait3A_69 = tpu.memref_slice %arg5[%add3A_68, %dma_wait3A] : memref<40x125xi32, #tpu.memory_space<vmem>> -> memref<1x125xi32, #tpu.memory_space<vmem>>
      %dma_wait3A_70 = tpu.memref_squeeze %dma_wait3A_69 : memref<1x125xi32, #tpu.memory_space<vmem>> -> memref<125xi32, #tpu.memory_space<vmem>>
      %dma_wait3A_71 = arith.constant 0 : i32
      %dma_wait3A_72 = arith.constant 0 : i32
      %dma_wait3A_73 = tpu.memref_slice %arg2[%dma_wait3A_71, %dma_wait3A_72] : memref<10000x128xf32, #tpu.memory_space<hbm>> -> memref<10000x128xf32, #tpu.memory_space<hbm>>
      tpu.wait_indirect_dma semaphore(%arg10 : memref<!tpu.dma_semaphore, #tpu.memory_space<semaphore_mem>>) src(%dma_wait3A_73 : memref<10000x128xf32, #tpu.memory_space<hbm>>) dst(%arg7 : memref<125x128xf32, #tpu.memory_space<vmem>>)
      %dma_start3A_74 = arith.constant 0 : i32
      %dma_start3A_75 = tpu.memref_slice %arg6[%add3A_68, %dma_start3A_74] : memref<40x125xi32, #tpu.memory_space<vmem>> -> memref<1x125xi32, #tpu.memory_space<vmem>>
      %dma_start3A_76 = tpu.memref_squeeze %dma_start3A_75 : memref<1x125xi32, #tpu.memory_space<vmem>> -> memref<125xi32, #tpu.memory_space<vmem>>
      %dma_start3A_77 = arith.constant 0 : i32
      %dma_start3A_78 = arith.constant 0 : i32
      %dma_start3A_79 = tpu.memref_slice %arg9[%dma_start3A_77, %dma_start3A_78] : memref<10112x128xf32, #tpu.memory_space<vmem_shared>> -> memref<10112x128xf32, #tpu.memory_space<vmem_shared>>
      tpu.enqueue_indirect_dma source(%arg7 : memref<125x128xf32, #tpu.memory_space<vmem>>) target(%dma_start3A_79 : memref<10112x128xf32, #tpu.memory_space<vmem_shared>>) offsets(%dma_start3A_76 : memref<125xi32, #tpu.memory_space<vmem>>) semaphore(%arg12 : memref<!tpu.dma_semaphore, #tpu.memory_space<semaphore_mem>>) {add = true}
      %mul3A_80 = arith.constant 2 : i32
      %mul3A_81 = arith.muli %mul3A_80, %scan3A_64 : i32
      %add3A_82 = arith.constant 1 : i32
      %add3A_83 = arith.addi %mul3A_81, %add3A_82 : i32
      %dma_wait3A_84 = arith.constant 0 : i32
      %dma_wait3A_85 = tpu.memref_slice %arg5[%add3A_83, %dma_wait3A_84] : memref<40x125xi32, #tpu.memory_space<vmem>> -> memref<1x125xi32, #tpu.memory_space<vmem>>
      %dma_wait3A_86 = tpu.memref_squeeze %dma_wait3A_85 : memref<1x125xi32, #tpu.memory_space<vmem>> -> memref<125xi32, #tpu.memory_space<vmem>>
      %dma_wait3A_87 = arith.constant 0 : i32
      %dma_wait3A_88 = arith.constant 0 : i32
      %dma_wait3A_89 = tpu.memref_slice %arg2[%dma_wait3A_87, %dma_wait3A_88] : memref<10000x128xf32, #tpu.memory_space<hbm>> -> memref<10000x128xf32, #tpu.memory_space<hbm>>
      tpu.wait_indirect_dma semaphore(%arg11 : memref<!tpu.dma_semaphore, #tpu.memory_space<semaphore_mem>>) src(%dma_wait3A_89 : memref<10000x128xf32, #tpu.memory_space<hbm>>) dst(%arg8 : memref<125x128xf32, #tpu.memory_space<vmem>>)
      %dma_start3A_90 = arith.constant 0 : i32
      %dma_start3A_91 = tpu.memref_slice %arg6[%add3A_83, %dma_start3A_90] : memref<40x125xi32, #tpu.memory_space<vmem>> -> memref<1x125xi32, #tpu.memory_space<vmem>>
      %dma_start3A_92 = tpu.memref_squeeze %dma_start3A_91 : memref<1x125xi32, #tpu.memory_space<vmem>> -> memref<125xi32, #tpu.memory_space<vmem>>
      %dma_start3A_93 = arith.constant 0 : i32
      %dma_start3A_94 = arith.constant 0 : i32
      %dma_start3A_95 = tpu.memref_slice %arg9[%dma_start3A_93, %dma_start3A_94] : memref<10112x128xf32, #tpu.memory_space<vmem_shared>> -> memref<10112x128xf32, #tpu.memory_space<vmem_shared>>
      tpu.enqueue_indirect_dma source(%arg8 : memref<125x128xf32, #tpu.memory_space<vmem>>) target(%dma_start3A_95 : memref<10112x128xf32, #tpu.memory_space<vmem_shared>>) offsets(%dma_start3A_92 : memref<125xi32, #tpu.memory_space<vmem>>) semaphore(%arg13 : memref<!tpu.dma_semaphore, #tpu.memory_space<semaphore_mem>>) {add = true}
      %mul3A_96 = arith.constant 2 : i32
      %mul3A_97 = arith.muli %mul3A_96, %scan3A_64 : i32
      %add3A_98 = arith.constant 0 : i32
      %add3A_99 = arith.addi %mul3A_97, %add3A_98 : i32
      %dma_wait3A_100 = arith.constant 0 : i32
      %dma_wait3A_101 = tpu.memref_slice %arg6[%add3A_99, %dma_wait3A_100] : memref<40x125xi32, #tpu.memory_space<vmem>> -> memref<1x125xi32, #tpu.memory_space<vmem>>
      %dma_wait3A_102 = tpu.memref_squeeze %dma_wait3A_101 : memref<1x125xi32, #tpu.memory_space<vmem>> -> memref<125xi32, #tpu.memory_space<vmem>>
      %dma_wait3A_103 = arith.constant 0 : i32
      %dma_wait3A_104 = arith.constant 0 : i32
      %dma_wait3A_105 = tpu.memref_slice %arg9[%dma_wait3A_103, %dma_wait3A_104] : memref<10112x128xf32, #tpu.memory_space<vmem_shared>> -> memref<10112x128xf32, #tpu.memory_space<vmem_shared>>
      tpu.wait_indirect_dma semaphore(%arg12 : memref<!tpu.dma_semaphore, #tpu.memory_space<semaphore_mem>>) src(%arg7 : memref<125x128xf32, #tpu.memory_space<vmem>>) dst(%dma_wait3A_105 : memref<10112x128xf32, #tpu.memory_space<vmem_shared>>)
      %lt3A = arith.constant 19 : i32
      %lt3A_106 = arith.cmpi slt, %scan3A_64, %lt3A : i32
      %convert_element_type3A = arith.extui %lt3A_106 : i1 to i32
      %cond3A = arith.constant 0 : i32
      %cond3A_107 = arith.cmpi ne, %convert_element_type3A, %cond3A : i32
      scf.if %cond3A_107 {
        %add3A_123 = arith.constant 2 : i32
        %add3A_124 = arith.addi %add3A_99, %add3A_123 : i32
        %dma_start3A_125 = arith.constant 0 : i32
        %dma_start3A_126 = tpu.memref_slice %arg5[%add3A_124, %dma_start3A_125] : memref<40x125xi32, #tpu.memory_space<vmem>> -> memref<1x125xi32, #tpu.memory_space<vmem>>
        %dma_start3A_127 = tpu.memref_squeeze %dma_start3A_126 : memref<1x125xi32, #tpu.memory_space<vmem>> -> memref<125xi32, #tpu.memory_space<vmem>>
        %dma_start3A_128 = arith.constant 0 : i32
        %dma_start3A_129 = arith.constant 0 : i32
        %dma_start3A_130 = tpu.memref_slice %arg2[%dma_start3A_128, %dma_start3A_129] : memref<10000x128xf32, #tpu.memory_space<hbm>> -> memref<10000x128xf32, #tpu.memory_space<hbm>>
        tpu.enqueue_indirect_dma source(%dma_start3A_130 : memref<10000x128xf32, #tpu.memory_space<hbm>>) target(%arg7 : memref<125x128xf32, #tpu.memory_space<vmem>>) offsets(%dma_start3A_127 : memref<125xi32, #tpu.memory_space<vmem>>) semaphore(%arg10 : memref<!tpu.dma_semaphore, #tpu.memory_space<semaphore_mem>>)
      } else {
      }
      %mul3A_108 = arith.constant 2 : i32
      %mul3A_109 = arith.muli %mul3A_108, %scan3A_64 : i32
      %add3A_110 = arith.constant 1 : i32
      %add3A_111 = arith.addi %mul3A_109, %add3A_110 : i32
      %dma_wait3A_112 = arith.constant 0 : i32
      %dma_wait3A_113 = tpu.memref_slice %arg6[%add3A_111, %dma_wait3A_112] : memref<40x125xi32, #tpu.memory_space<vmem>> -> memref<1x125xi32, #tpu.memory_space<vmem>>
      %dma_wait3A_114 = tpu.memref_squeeze %dma_wait3A_113 : memref<1x125xi32, #tpu.memory_space<vmem>> -> memref<125xi32, #tpu.memory_space<vmem>>
      %dma_wait3A_115 = arith.constant 0 : i32
      %dma_wait3A_116 = arith.constant 0 : i32
      %dma_wait3A_117 = tpu.memref_slice %arg9[%dma_wait3A_115, %dma_wait3A_116] : memref<10112x128xf32, #tpu.memory_space<vmem_shared>> -> memref<10112x128xf32, #tpu.memory_space<vmem_shared>>
      tpu.wait_indirect_dma semaphore(%arg13 : memref<!tpu.dma_semaphore, #tpu.memory_space<semaphore_mem>>) src(%arg8 : memref<125x128xf32, #tpu.memory_space<vmem>>) dst(%dma_wait3A_117 : memref<10112x128xf32, #tpu.memory_space<vmem_shared>>)
      %lt3A_118 = arith.constant 19 : i32
      %lt3A_119 = arith.cmpi slt, %scan3A_64, %lt3A_118 : i32
      %convert_element_type3A_120 = arith.extui %lt3A_119 : i1 to i32
      %cond3A_121 = arith.constant 0 : i32
      %cond3A_122 = arith.cmpi ne, %convert_element_type3A_120, %cond3A_121 : i32
      scf.if %cond3A_122 {
        %add3A_123 = arith.constant 2 : i32
        %add3A_124 = arith.addi %add3A_111, %add3A_123 : i32
        %dma_start3A_125 = arith.constant 0 : i32
        %dma_start3A_126 = tpu.memref_slice %arg5[%add3A_124, %dma_start3A_125] : memref<40x125xi32, #tpu.memory_space<vmem>> -> memref<1x125xi32, #tpu.memory_space<vmem>>
        %dma_start3A_127 = tpu.memref_squeeze %dma_start3A_126 : memref<1x125xi32, #tpu.memory_space<vmem>> -> memref<125xi32, #tpu.memory_space<vmem>>
        %dma_start3A_128 = arith.constant 0 : i32
        %dma_start3A_129 = arith.constant 0 : i32
        %dma_start3A_130 = tpu.memref_slice %arg2[%dma_start3A_128, %dma_start3A_129] : memref<10000x128xf32, #tpu.memory_space<hbm>> -> memref<10000x128xf32, #tpu.memory_space<hbm>>
        tpu.enqueue_indirect_dma source(%dma_start3A_130 : memref<10000x128xf32, #tpu.memory_space<hbm>>) target(%arg8 : memref<125x128xf32, #tpu.memory_space<vmem>>) offsets(%dma_start3A_127 : memref<125xi32, #tpu.memory_space<vmem>>) semaphore(%arg11 : memref<!tpu.dma_semaphore, #tpu.memory_space<semaphore_mem>>)
      } else {
      }
    }
    %scan3A_40 = arith.constant 20 : i32
    %run_scoped3A_41 = arith.constant 0 : i32
    "tpu.region"() ({
      %run_scoped3A_64 = tpu.sem_alloc : memref<!tpu.dma_semaphore, #tpu.memory_space<semaphore_mem>>
      %dma_start3A_65 = arith.constant 40 : i32
      %dma_start3A_66 = arith.constant 0 : i32
      %dma_start3A_67 = tpu.memref_slice %arg3[%run_scoped3A_41, %add3A, %dma_start3A_65, %dma_start3A_66] : memref<2x32x80x125xi32, #tpu.memory_space<hbm>> -> memref<1x1x40x125xi32, #tpu.memory_space<hbm>>
      %dma_start3A_68 = tpu.memref_squeeze %dma_start3A_67 : memref<1x1x40x125xi32, #tpu.memory_space<hbm>> -> memref<40x125xi32, #tpu.memory_space<hbm>>
      %dma_start3A_69 = arith.constant 40 : i32
      %dma_start3A_70 = arith.constant 0 : i32
      %dma_start3A_71 = tpu.memref_slice %arg3[%run_scoped3A_41, %add3A, %dma_start3A_69, %dma_start3A_70] : memref<2x32x80x125xi32, #tpu.memory_space<hbm>> -> memref<1x1x40x125xi32, #tpu.memory_space<hbm>>
      %dma_start3A_72 = tpu.memref_squeeze %dma_start3A_71 : memref<1x1x40x125xi32, #tpu.memory_space<hbm>> -> memref<40x125xi32, #tpu.memory_space<hbm>>
      tpu.enqueue_dma source(%dma_start3A_72 : memref<40x125xi32, #tpu.memory_space<hbm>>) target(%arg5 : memref<40x125xi32, #tpu.memory_space<vmem>>) target_semaphore(%run_scoped3A_64 : memref<!tpu.dma_semaphore, #tpu.memory_space<semaphore_mem>>)
      %dma_wait3A = arith.constant 40 : i32
      %dma_wait3A_73 = arith.constant 0 : i32
      %dma_wait3A_74 = tpu.memref_slice %arg3[%run_scoped3A_41, %add3A, %dma_wait3A, %dma_wait3A_73] : memref<2x32x80x125xi32, #tpu.memory_space<hbm>> -> memref<1x1x40x125xi32, #tpu.memory_space<hbm>>
      %dma_wait3A_75 = tpu.memref_squeeze %dma_wait3A_74 : memref<1x1x40x125xi32, #tpu.memory_space<hbm>> -> memref<40x125xi32, #tpu.memory_space<hbm>>
      %dma_wait3A_76 = arith.constant 40 : i32
      %dma_wait3A_77 = arith.constant 0 : i32
      %dma_wait3A_78 = tpu.memref_slice %arg3[%run_scoped3A_41, %add3A, %dma_wait3A_76, %dma_wait3A_77] : memref<2x32x80x125xi32, #tpu.memory_space<hbm>> -> memref<1x1x40x125xi32, #tpu.memory_space<hbm>>
      %dma_wait3A_79 = tpu.memref_squeeze %dma_wait3A_78 : memref<1x1x40x125xi32, #tpu.memory_space<hbm>> -> memref<40x125xi32, #tpu.memory_space<hbm>>
      tpu.wait_dma2 semaphore(%run_scoped3A_64 : memref<!tpu.dma_semaphore, #tpu.memory_space<semaphore_mem>>) src(%dma_wait3A_79 : memref<40x125xi32, #tpu.memory_space<hbm>>) dst(%arg5 : memref<40x125xi32, #tpu.memory_space<vmem>>)
      tpu.yield
    }) : () -> ()
    %run_scoped3A_42 = arith.constant 1 : i32
    "tpu.region"() ({
      %run_scoped3A_64 = tpu.sem_alloc : memref<!tpu.dma_semaphore, #tpu.memory_space<semaphore_mem>>
      %dma_start3A_65 = arith.constant 40 : i32
      %dma_start3A_66 = arith.constant 0 : i32
      %dma_start3A_67 = tpu.memref_slice %arg3[%run_scoped3A_42, %add3A, %dma_start3A_65, %dma_start3A_66] : memref<2x32x80x125xi32, #tpu.memory_space<hbm>> -> memref<1x1x40x125xi32, #tpu.memory_space<hbm>>
      %dma_start3A_68 = tpu.memref_squeeze %dma_start3A_67 : memref<1x1x40x125xi32, #tpu.memory_space<hbm>> -> memref<40x125xi32, #tpu.memory_space<hbm>>
      %dma_start3A_69 = arith.constant 40 : i32
      %dma_start3A_70 = arith.constant 0 : i32
      %dma_start3A_71 = tpu.memref_slice %arg3[%run_scoped3A_42, %add3A, %dma_start3A_69, %dma_start3A_70] : memref<2x32x80x125xi32, #tpu.memory_space<hbm>> -> memref<1x1x40x125xi32, #tpu.memory_space<hbm>>
      %dma_start3A_72 = tpu.memref_squeeze %dma_start3A_71 : memref<1x1x40x125xi32, #tpu.memory_space<hbm>> -> memref<40x125xi32, #tpu.memory_space<hbm>>
      tpu.enqueue_dma source(%dma_start3A_72 : memref<40x125xi32, #tpu.memory_space<hbm>>) target(%arg6 : memref<40x125xi32, #tpu.memory_space<vmem>>) target_semaphore(%run_scoped3A_64 : memref<!tpu.dma_semaphore, #tpu.memory_space<semaphore_mem>>)
      %dma_wait3A = arith.constant 40 : i32
      %dma_wait3A_73 = arith.constant 0 : i32
      %dma_wait3A_74 = tpu.memref_slice %arg3[%run_scoped3A_42, %add3A, %dma_wait3A, %dma_wait3A_73] : memref<2x32x80x125xi32, #tpu.memory_space<hbm>> -> memref<1x1x40x125xi32, #tpu.memory_space<hbm>>
      %dma_wait3A_75 = tpu.memref_squeeze %dma_wait3A_74 : memref<1x1x40x125xi32, #tpu.memory_space<hbm>> -> memref<40x125xi32, #tpu.memory_space<hbm>>
      %dma_wait3A_76 = arith.constant 40 : i32
      %dma_wait3A_77 = arith.constant 0 : i32
      %dma_wait3A_78 = tpu.memref_slice %arg3[%run_scoped3A_42, %add3A, %dma_wait3A_76, %dma_wait3A_77] : memref<2x32x80x125xi32, #tpu.memory_space<hbm>> -> memref<1x1x40x125xi32, #tpu.memory_space<hbm>>
      %dma_wait3A_79 = tpu.memref_squeeze %dma_wait3A_78 : memref<1x1x40x125xi32, #tpu.memory_space<hbm>> -> memref<40x125xi32, #tpu.memory_space<hbm>>
      tpu.wait_dma2 semaphore(%run_scoped3A_64 : memref<!tpu.dma_semaphore, #tpu.memory_space<semaphore_mem>>) src(%dma_wait3A_79 : memref<40x125xi32, #tpu.memory_space<hbm>>) dst(%arg6 : memref<40x125xi32, #tpu.memory_space<vmem>>)
      tpu.yield
    }) : () -> ()
    %dma_start3A_43 = arith.constant 0 : i32
    %dma_start3A_44 = arith.constant 0 : i32
    %dma_start3A_45 = tpu.memref_slice %arg5[%dma_start3A_43, %dma_start3A_44] : memref<40x125xi32, #tpu.memory_space<vmem>> -> memref<1x125xi32, #tpu.memory_space<vmem>>
    %dma_start3A_46 = tpu.memref_squeeze %dma_start3A_45 : memref<1x125xi32, #tpu.memory_space<vmem>> -> memref<125xi32, #tpu.memory_space<vmem>>
    %dma_start3A_47 = arith.constant 0 : i32
    %dma_start3A_48 = arith.constant 0 : i32
    %dma_start3A_49 = tpu.memref_slice %arg2[%dma_start3A_47, %dma_start3A_48] : memref<10000x128xf32, #tpu.memory_space<hbm>> -> memref<10000x128xf32, #tpu.memory_space<hbm>>
    tpu.enqueue_indirect_dma source(%dma_start3A_49 : memref<10000x128xf32, #tpu.memory_space<hbm>>) target(%arg7 : memref<125x128xf32, #tpu.memory_space<vmem>>) offsets(%dma_start3A_46 : memref<125xi32, #tpu.memory_space<vmem>>) semaphore(%arg10 : memref<!tpu.dma_semaphore, #tpu.memory_space<semaphore_mem>>)
    %dma_start3A_50 = arith.constant 1 : i32
    %dma_start3A_51 = arith.constant 0 : i32
    %dma_start3A_52 = tpu.memref_slice %arg5[%dma_start3A_50, %dma_start3A_51] : memref<40x125xi32, #tpu.memory_space<vmem>> -> memref<1x125xi32, #tpu.memory_space<vmem>>
    %dma_start3A_53 = tpu.memref_squeeze %dma_start3A_52 : memref<1x125xi32, #tpu.memory_space<vmem>> -> memref<125xi32, #tpu.memory_space<vmem>>
    %dma_start3A_54 = arith.constant 0 : i32
    %dma_start3A_55 = arith.constant 0 : i32
    %dma_start3A_56 = tpu.memref_slice %arg2[%dma_start3A_54, %dma_start3A_55] : memref<10000x128xf32, #tpu.memory_space<hbm>> -> memref<10000x128xf32, #tpu.memory_space<hbm>>
    tpu.enqueue_indirect_dma source(%dma_start3A_56 : memref<10000x128xf32, #tpu.memory_space<hbm>>) target(%arg8 : memref<125x128xf32, #tpu.memory_space<vmem>>) offsets(%dma_start3A_53 : memref<125xi32, #tpu.memory_space<vmem>>) semaphore(%arg11 : memref<!tpu.dma_semaphore, #tpu.memory_space<semaphore_mem>>)
    %scan3A_57 = arith.constant 0 : i32
    %scan3A_58 = arith.constant 0 : i32
    %scan3A_59 = arith.constant 20 : i32
    %scan3A_60 = arith.addi %scan3A_58, %scan3A_59 : i32
    %scan3A_61 = arith.constant 1 : i32
    scf.for %scan3A_64 = %scan3A_58 to %scan3A_60 step %scan3A_61  : i32 {
      %mul3A_65 = arith.constant 2 : i32
      %mul3A_66 = arith.muli %mul3A_65, %scan3A_64 : i32
      %add3A_67 = arith.constant 0 : i32
      %add3A_68 = arith.addi %mul3A_66, %add3A_67 : i32
      %dma_wait3A = arith.constant 0 : i32
      %dma_wait3A_69 = tpu.memref_slice %arg5[%add3A_68, %dma_wait3A] : memref<40x125xi32, #tpu.memory_space<vmem>> -> memref<1x125xi32, #tpu.memory_space<vmem>>
      %dma_wait3A_70 = tpu.memref_squeeze %dma_wait3A_69 : memref<1x125xi32, #tpu.memory_space<vmem>> -> memref<125xi32, #tpu.memory_space<vmem>>
      %dma_wait3A_71 = arith.constant 0 : i32
      %dma_wait3A_72 = arith.constant 0 : i32
      %dma_wait3A_73 = tpu.memref_slice %arg2[%dma_wait3A_71, %dma_wait3A_72] : memref<10000x128xf32, #tpu.memory_space<hbm>> -> memref<10000x128xf32, #tpu.memory_space<hbm>>
      tpu.wait_indirect_dma semaphore(%arg10 : memref<!tpu.dma_semaphore, #tpu.memory_space<semaphore_mem>>) src(%dma_wait3A_73 : memref<10000x128xf32, #tpu.memory_space<hbm>>) dst(%arg7 : memref<125x128xf32, #tpu.memory_space<vmem>>)
      %dma_start3A_74 = arith.constant 0 : i32
      %dma_start3A_75 = tpu.memref_slice %arg6[%add3A_68, %dma_start3A_74] : memref<40x125xi32, #tpu.memory_space<vmem>> -> memref<1x125xi32, #tpu.memory_space<vmem>>
      %dma_start3A_76 = tpu.memref_squeeze %dma_start3A_75 : memref<1x125xi32, #tpu.memory_space<vmem>> -> memref<125xi32, #tpu.memory_space<vmem>>
      %dma_start3A_77 = arith.constant 0 : i32
      %dma_start3A_78 = arith.constant 0 : i32
      %dma_start3A_79 = tpu.memref_slice %arg9[%dma_start3A_77, %dma_start3A_78] : memref<10112x128xf32, #tpu.memory_space<vmem_shared>> -> memref<10112x128xf32, #tpu.memory_space<vmem_shared>>
      tpu.enqueue_indirect_dma source(%arg7 : memref<125x128xf32, #tpu.memory_space<vmem>>) target(%dma_start3A_79 : memref<10112x128xf32, #tpu.memory_space<vmem_shared>>) offsets(%dma_start3A_76 : memref<125xi32, #tpu.memory_space<vmem>>) semaphore(%arg12 : memref<!tpu.dma_semaphore, #tpu.memory_space<semaphore_mem>>) {add = true}
      %mul3A_80 = arith.constant 2 : i32
      %mul3A_81 = arith.muli %mul3A_80, %scan3A_64 : i32
      %add3A_82 = arith.constant 1 : i32
      %add3A_83 = arith.addi %mul3A_81, %add3A_82 : i32
      %dma_wait3A_84 = arith.constant 0 : i32
      %dma_wait3A_85 = tpu.memref_slice %arg5[%add3A_83, %dma_wait3A_84] : memref<40x125xi32, #tpu.memory_space<vmem>> -> memref<1x125xi32, #tpu.memory_space<vmem>>
      %dma_wait3A_86 = tpu.memref_squeeze %dma_wait3A_85 : memref<1x125xi32, #tpu.memory_space<vmem>> -> memref<125xi32, #tpu.memory_space<vmem>>
      %dma_wait3A_87 = arith.constant 0 : i32
      %dma_wait3A_88 = arith.constant 0 : i32
      %dma_wait3A_89 = tpu.memref_slice %arg2[%dma_wait3A_87, %dma_wait3A_88] : memref<10000x128xf32, #tpu.memory_space<hbm>> -> memref<10000x128xf32, #tpu.memory_space<hbm>>
      tpu.wait_indirect_dma semaphore(%arg11 : memref<!tpu.dma_semaphore, #tpu.memory_space<semaphore_mem>>) src(%dma_wait3A_89 : memref<10000x128xf32, #tpu.memory_space<hbm>>) dst(%arg8 : memref<125x128xf32, #tpu.memory_space<vmem>>)
      %dma_start3A_90 = arith.constant 0 : i32
      %dma_start3A_91 = tpu.memref_slice %arg6[%add3A_83, %dma_start3A_90] : memref<40x125xi32, #tpu.memory_space<vmem>> -> memref<1x125xi32, #tpu.memory_space<vmem>>
      %dma_start3A_92 = tpu.memref_squeeze %dma_start3A_91 : memref<1x125xi32, #tpu.memory_space<vmem>> -> memref<125xi32, #tpu.memory_space<vmem>>
      %dma_start3A_93 = arith.constant 0 : i32
      %dma_start3A_94 = arith.constant 0 : i32
      %dma_start3A_95 = tpu.memref_slice %arg9[%dma_start3A_93, %dma_start3A_94] : memref<10112x128xf32, #tpu.memory_space<vmem_shared>> -> memref<10112x128xf32, #tpu.memory_space<vmem_shared>>
      tpu.enqueue_indirect_dma source(%arg8 : memref<125x128xf32, #tpu.memory_space<vmem>>) target(%dma_start3A_95 : memref<10112x128xf32, #tpu.memory_space<vmem_shared>>) offsets(%dma_start3A_92 : memref<125xi32, #tpu.memory_space<vmem>>) semaphore(%arg13 : memref<!tpu.dma_semaphore, #tpu.memory_space<semaphore_mem>>) {add = true}
      %mul3A_96 = arith.constant 2 : i32
      %mul3A_97 = arith.muli %mul3A_96, %scan3A_64 : i32
      %add3A_98 = arith.constant 0 : i32
      %add3A_99 = arith.addi %mul3A_97, %add3A_98 : i32
      %dma_wait3A_100 = arith.constant 0 : i32
      %dma_wait3A_101 = tpu.memref_slice %arg6[%add3A_99, %dma_wait3A_100] : memref<40x125xi32, #tpu.memory_space<vmem>> -> memref<1x125xi32, #tpu.memory_space<vmem>>
      %dma_wait3A_102 = tpu.memref_squeeze %dma_wait3A_101 : memref<1x125xi32, #tpu.memory_space<vmem>> -> memref<125xi32, #tpu.memory_space<vmem>>
      %dma_wait3A_103 = arith.constant 0 : i32
      %dma_wait3A_104 = arith.constant 0 : i32
      %dma_wait3A_105 = tpu.memref_slice %arg9[%dma_wait3A_103, %dma_wait3A_104] : memref<10112x128xf32, #tpu.memory_space<vmem_shared>> -> memref<10112x128xf32, #tpu.memory_space<vmem_shared>>
      tpu.wait_indirect_dma semaphore(%arg12 : memref<!tpu.dma_semaphore, #tpu.memory_space<semaphore_mem>>) src(%arg7 : memref<125x128xf32, #tpu.memory_space<vmem>>) dst(%dma_wait3A_105 : memref<10112x128xf32, #tpu.memory_space<vmem_shared>>)
      %lt3A = arith.constant 19 : i32
      %lt3A_106 = arith.cmpi slt, %scan3A_64, %lt3A : i32
      %convert_element_type3A = arith.extui %lt3A_106 : i1 to i32
      %cond3A = arith.constant 0 : i32
      %cond3A_107 = arith.cmpi ne, %convert_element_type3A, %cond3A : i32
      scf.if %cond3A_107 {
        %add3A_123 = arith.constant 2 : i32
        %add3A_124 = arith.addi %add3A_99, %add3A_123 : i32
        %dma_start3A_125 = arith.constant 0 : i32
        %dma_start3A_126 = tpu.memref_slice %arg5[%add3A_124, %dma_start3A_125] : memref<40x125xi32, #tpu.memory_space<vmem>> -> memref<1x125xi32, #tpu.memory_space<vmem>>
        %dma_start3A_127 = tpu.memref_squeeze %dma_start3A_126 : memref<1x125xi32, #tpu.memory_space<vmem>> -> memref<125xi32, #tpu.memory_space<vmem>>
        %dma_start3A_128 = arith.constant 0 : i32
        %dma_start3A_129 = arith.constant 0 : i32
        %dma_start3A_130 = tpu.memref_slice %arg2[%dma_start3A_128, %dma_start3A_129] : memref<10000x128xf32, #tpu.memory_space<hbm>> -> memref<10000x128xf32, #tpu.memory_space<hbm>>
        tpu.enqueue_indirect_dma source(%dma_start3A_130 : memref<10000x128xf32, #tpu.memory_space<hbm>>) target(%arg7 : memref<125x128xf32, #tpu.memory_space<vmem>>) offsets(%dma_start3A_127 : memref<125xi32, #tpu.memory_space<vmem>>) semaphore(%arg10 : memref<!tpu.dma_semaphore, #tpu.memory_space<semaphore_mem>>)
      } else {
      }
      %mul3A_108 = arith.constant 2 : i32
      %mul3A_109 = arith.muli %mul3A_108, %scan3A_64 : i32
      %add3A_110 = arith.constant 1 : i32
      %add3A_111 = arith.addi %mul3A_109, %add3A_110 : i32
      %dma_wait3A_112 = arith.constant 0 : i32
      %dma_wait3A_113 = tpu.memref_slice %arg6[%add3A_111, %dma_wait3A_112] : memref<40x125xi32, #tpu.memory_space<vmem>> -> memref<1x125xi32, #tpu.memory_space<vmem>>
      %dma_wait3A_114 = tpu.memref_squeeze %dma_wait3A_113 : memref<1x125xi32, #tpu.memory_space<vmem>> -> memref<125xi32, #tpu.memory_space<vmem>>
      %dma_wait3A_115 = arith.constant 0 : i32
      %dma_wait3A_116 = arith.constant 0 : i32
      %dma_wait3A_117 = tpu.memref_slice %arg9[%dma_wait3A_115, %dma_wait3A_116] : memref<10112x128xf32, #tpu.memory_space<vmem_shared>> -> memref<10112x128xf32, #tpu.memory_space<vmem_shared>>
      tpu.wait_indirect_dma semaphore(%arg13 : memref<!tpu.dma_semaphore, #tpu.memory_space<semaphore_mem>>) src(%arg8 : memref<125x128xf32, #tpu.memory_space<vmem>>) dst(%dma_wait3A_117 : memref<10112x128xf32, #tpu.memory_space<vmem_shared>>)
      %lt3A_118 = arith.constant 19 : i32
      %lt3A_119 = arith.cmpi slt, %scan3A_64, %lt3A_118 : i32
      %convert_element_type3A_120 = arith.extui %lt3A_119 : i1 to i32
      %cond3A_121 = arith.constant 0 : i32
      %cond3A_122 = arith.cmpi ne, %convert_element_type3A_120, %cond3A_121 : i32
      scf.if %cond3A_122 {
        %add3A_123 = arith.constant 2 : i32
        %add3A_124 = arith.addi %add3A_111, %add3A_123 : i32
        %dma_start3A_125 = arith.constant 0 : i32
        %dma_start3A_126 = tpu.memref_slice %arg5[%add3A_124, %dma_start3A_125] : memref<40x125xi32, #tpu.memory_space<vmem>> -> memref<1x125xi32, #tpu.memory_space<vmem>>
        %dma_start3A_127 = tpu.memref_squeeze %dma_start3A_126 : memref<1x125xi32, #tpu.memory_space<vmem>> -> memref<125xi32, #tpu.memory_space<vmem>>
        %dma_start3A_128 = arith.constant 0 : i32
        %dma_start3A_129 = arith.constant 0 : i32
        %dma_start3A_130 = tpu.memref_slice %arg2[%dma_start3A_128, %dma_start3A_129] : memref<10000x128xf32, #tpu.memory_space<hbm>> -> memref<10000x128xf32, #tpu.memory_space<hbm>>
        tpu.enqueue_indirect_dma source(%dma_start3A_130 : memref<10000x128xf32, #tpu.memory_space<hbm>>) target(%arg8 : memref<125x128xf32, #tpu.memory_space<vmem>>) offsets(%dma_start3A_127 : memref<125xi32, #tpu.memory_space<vmem>>) semaphore(%arg11 : memref<!tpu.dma_semaphore, #tpu.memory_space<semaphore_mem>>)
      } else {
      }
    }
    %scan3A_62 = arith.constant 20 : i32
    %barrier3A_63 = arith.constant 0 : index
    tpu.barrier barrier_id(%barrier3A_63)
    "tpu.region"() ({
      %run_scoped3A_64 = tpu.sem_alloc : memref<!tpu.dma_semaphore, #tpu.memory_space<semaphore_mem>>
      %dma_start3A_65 = arith.constant 0 : i32
      %dma_start3A_66 = tpu.memref_slice %arg4[%arg0, %mul3A_8, %dma_start3A_65] : memref<2x10112x128xf32, #tpu.memory_space<hbm>> -> memref<1x632x128xf32, #tpu.memory_space<hbm>>
      %dma_start3A_67 = tpu.memref_squeeze %dma_start3A_66 : memref<1x632x128xf32, #tpu.memory_space<hbm>> -> memref<632x128xf32, #tpu.memory_space<hbm>>
      %dma_start3A_68 = arith.constant 0 : i32
      %dma_start3A_69 = tpu.memref_slice %arg9[%mul3A_8, %dma_start3A_68] : memref<10112x128xf32, #tpu.memory_space<vmem_shared>> -> memref<632x128xf32, #tpu.memory_space<vmem_shared>>
      tpu.enqueue_dma source(%dma_start3A_69 : memref<632x128xf32, #tpu.memory_space<vmem_shared>>) target(%dma_start3A_67 : memref<632x128xf32, #tpu.memory_space<hbm>>) target_semaphore(%run_scoped3A_64 : memref<!tpu.dma_semaphore, #tpu.memory_space<semaphore_mem>>)
      %dma_wait3A = arith.constant 0 : i32
      %dma_wait3A_70 = tpu.memref_slice %arg4[%arg0, %mul3A_8, %dma_wait3A] : memref<2x10112x128xf32, #tpu.memory_space<hbm>> -> memref<1x632x128xf32, #tpu.memory_space<hbm>>
      %dma_wait3A_71 = tpu.memref_squeeze %dma_wait3A_70 : memref<1x632x128xf32, #tpu.memory_space<hbm>> -> memref<632x128xf32, #tpu.memory_space<hbm>>
      %dma_wait3A_72 = arith.constant 0 : i32
      %dma_wait3A_73 = tpu.memref_slice %arg9[%mul3A_8, %dma_wait3A_72] : memref<10112x128xf32, #tpu.memory_space<vmem_shared>> -> memref<632x128xf32, #tpu.memory_space<vmem_shared>>
      tpu.wait_dma2 semaphore(%run_scoped3A_64 : memref<!tpu.dma_semaphore, #tpu.memory_space<semaphore_mem>>) src(%dma_wait3A_73 : memref<632x128xf32, #tpu.memory_space<vmem_shared>>) dst(%dma_wait3A_71 : memref<632x128xf32, #tpu.memory_space<hbm>>)
      tpu.yield
    }) : () -> ()
    return
  }
}

module attributes {stable_mosaic.version = 14 : i64} {
  func.func @body(%arg0: i32, %arg1: memref<1x2000x128xf32, #tpu.memory_space<vmem>>, %arg2: memref<1x2000x128xf32, #tpu.memory_space<vmem>>, %arg3: memref<2000x128xf32, #tpu.memory_space<vmem>>, %arg4: memref<256x128xf32, #tpu.memory_space<vmem>>, %arg5: memref<1x128xf32, #tpu.memory_space<vmem>>, %arg6: memref<2000x128xf32, #tpu.memory_space<vmem>>) attributes {dimension_semantics = [#tpu.dimension_semantics<arbitrary>], iteration_bounds = array<i64: 5>, scalar_prefetch = 0 : i64, scratch_operands = 0 : i64, tpu.core_type = #tpu.core_type<tc>, window_params = [{transform_indices = @transform_0, window_bounds = array<i64: 1, 2000, 128>}, {transform_indices = @transform_1, window_bounds = array<i64: 1, 2000, 128>}, {transform_indices = @transform_2, window_bounds = array<i64: 2000, 128>}, {pipeline_mode = #tpu.pipeline_mode<synchronous>, transform_indices = @transform_3, window_bounds = array<i64: 256, 128>}, {pipeline_mode = #tpu.pipeline_mode<synchronous>, transform_indices = @transform_4, window_bounds = array<i64: 1, 128>}, {transform_indices = @transform_5, window_bounds = array<i64: 2000, 128>}]} {
    %get3A = arith.constant 0 : index
    %get3A_0 = arith.constant 0 : index
    %get3A_1 = arith.constant 0 : index
    %get3A_2 = vector.load %arg1[%get3A, %get3A_0, %get3A_1] : memref<1x2000x128xf32, #tpu.memory_space<vmem>>, vector<1x2000x128xf32>
    %get3A_3 = vector.shape_cast %get3A_2 : vector<1x2000x128xf32> to vector<2000x128xf32>
    %get3A_4 = arith.constant 0 : index
    %get3A_5 = arith.constant 0 : index
    %get3A_6 = arith.constant 0 : index
    %get3A_7 = vector.load %arg2[%get3A_4, %get3A_5, %get3A_6] : memref<1x2000x128xf32, #tpu.memory_space<vmem>>, vector<1x2000x128xf32>
    %get3A_8 = vector.shape_cast %get3A_7 : vector<1x2000x128xf32> to vector<2000x128xf32>
    %add3A = arith.addf %get3A_3, %get3A_8 : vector<2000x128xf32>
    %get3A_9 = arith.constant 0 : index
    %get3A_10 = arith.constant 0 : index
    %get3A_11 = vector.load %arg3[%get3A_9, %get3A_10] : memref<2000x128xf32, #tpu.memory_space<vmem>>, vector<2000x128xf32>
    %concatenate3A = tpu.concatenate %add3A, %get3A_11 in 1 : vector<2000x128xf32>, vector<2000x128xf32> -> vector<2000x256xf32>
    %get3A_12 = arith.constant 0 : index
    %get3A_13 = arith.constant 0 : index
    %get3A_14 = vector.load %arg4[%get3A_12, %get3A_13] : memref<256x128xf32, #tpu.memory_space<vmem>>, vector<256x128xf32>
    %dot_general3A = arith.constant dense<0.000000e+00> : vector<2000x128xf32>
    %dot_general3A_15 = tpu.matmul %concatenate3A, %get3A_14, %dot_general3A {dimension_numbers = #tpu.dot_dimension_numbers<[1], [0], [0], [1], [0, 0, 1, 1], [], []>, transpose_lhs_hint = false} : vector<2000x256xf32>, vector<256x128xf32>, vector<2000x128xf32> -> vector<2000x128xf32>
    %get3A_16 = arith.constant 0 : index
    %get3A_17 = arith.constant 0 : index
    %get3A_18 = vector.load %arg5[%get3A_16, %get3A_17] : memref<1x128xf32, #tpu.memory_space<vmem>>, vector<1x128xf32>
    %add3A_19 = vector.broadcast %get3A_18 : vector<1x128xf32> to vector<2000x128xf32>
    %add3A_20 = arith.addf %dot_general3A_15, %add3A_19 : vector<2000x128xf32>
    %max3A = arith.constant 0.000000e+00 : f32
    %max3A_21 = vector.broadcast %max3A : f32 to vector<2000x128xf32>
    %max3A_22 = arith.maximumf %add3A_20, %max3A_21 : vector<2000x128xf32>
    %swap3A = arith.constant 0 : index
    %swap3A_23 = arith.constant 0 : index
    %swap3A_24 = vector.load %arg6[%swap3A, %swap3A_23] : memref<2000x128xf32, #tpu.memory_space<vmem>>, vector<2000x128xf32>
    tpu.vector_store %arg6[%swap3A, %swap3A_23], %max3A_22 {strides = array<i32>} : memref<2000x128xf32, #tpu.memory_space<vmem>>, vector<2000x128xf32>,
    return
  }
  func.func @transform_0(%arg0: i32) -> (i32, i32, i32) {
    %c0_i32 = arith.constant 0 : i32
    %c0_i32_0 = arith.constant 0 : i32
    %c0_i32_1 = arith.constant 0 : i32
    return %c0_i32, %arg0, %c0_i32_0 : i32, i32, i32
  }
  func.func @transform_1(%arg0: i32) -> (i32, i32, i32) {
    %c1_i32 = arith.constant 1 : i32
    %c0_i32 = arith.constant 0 : i32
    %c0_i32_0 = arith.constant 0 : i32
    return %c1_i32, %arg0, %c0_i32 : i32, i32, i32
  }
  func.func @transform_2(%arg0: i32) -> (i32, i32) {
    %c0_i32 = arith.constant 0 : i32
    %c0_i32_0 = arith.constant 0 : i32
    return %arg0, %c0_i32 : i32, i32
  }
  func.func @transform_3(%arg0: i32) -> (i32, i32) {
    %c0_i32 = arith.constant 0 : i32
    %c0_i32_0 = arith.constant 0 : i32
    %c0_i32_1 = arith.constant 0 : i32
    return %c0_i32, %c0_i32_0 : i32, i32
  }
  func.func @transform_4(%arg0: i32) -> (i32, i32) {
    %c0_i32 = arith.constant 0 : i32
    %c0_i32_0 = arith.constant 0 : i32
    %c0_i32_1 = arith.constant 0 : i32
    return %c0_i32, %c0_i32_0 : i32, i32
  }
  func.func @transform_5(%arg0: i32) -> (i32, i32) {
    %c0_i32 = arith.constant 0 : i32
    %c0_i32_0 = arith.constant 0 : i32
    return %arg0, %c0_i32 : i32, i32
  }
}

</mosaic_0001>

<sc_bundles>
// kernel: kernel.4.cloned.1.call-start
scs
__scs_entry_jumppad:
0x0: {  	(pc) =	sbr.rel $0x88, $3  }
0x1: {  	(tag) =	ssettag $0x0;
	lr =	simm.s32 $0x1  }
0x2: {  	[smem:$0x3F9C] =	sst lr;
	_ =	strace $0xD0000000  }
0x3: {  	_ = 	snop  }
0x4: {  	_ = 	snop  }
0x5: {  	_ = 	snop  }
0x6: {  	_ = 	snop  }
0x7: {  	_ = 	snop  }
__scs_overlays_trampoline_lowered:
0x8: {  	[smem:$0x3FAB] =	sst s0  }
0x9: {  	[smem:$0x3FAC] =	sst s1  }
0xa: {  	[smem:$0x3FAD] =	sst s2  }
0xb: {  	[smem:$0x3FAE] =	sst s3  }
0xc: {  	[smem:$0x3FAF] =	sst s4  }
0xd: {  	[smem:$0x3FB0] =	sst s5  }
0xe: {  	[smem:$0x3FB1] =	sst s6  }
0xf: {  	[smem:$0x3FB2] =	sst s7  }
0x10: {  	[smem:$0x3FB3] =	sst s8  }
0x11: {  	[smem:$0x3FB4] =	sst s9;
	s0 =	simm.s32 @!p0 $0x0  }
0x12: {  	s1 =	sld [smem:$0x3F9A];
	s0 =	simm.s32 @p0 $0x1  }
0x13: {  	[smem:$0x3FB5] =	sst s0;
	s0 =	simm.s32 @!p1 $0x0  }
0x14: {  	s2 =	sld [smem:$0x3F99];
	s0 =	simm.s32 @p1 $0x1  }
0x15: {  	[smem:$0x3FB6] =	sst s0;
	s0 =	simm.s32 @!p2 $0x0  }
0x16: {  	s3 =	sld [smem:$0x3FDB];
	s0 =	simm.s32 @p2 $0x1  }
0x17: {  	s4 =	simm.s32 $0x1BF5;
	[smem:$0x3FB8] =	sst s0  }
0x18: {  	s0 =	sld [smem:$0x3F9B];
	_ =	swait.ge [sflag:s4], $0x0  }
0x19: {  	s7 =	sld [smem:$0x3F9C]  }
0x1a: {  	s8 =	sadd.s32 $0xFFFFE003, lr  }
0x1b: {  	s9 =	sadd.s32 $0xFFFFFEF7, lr;
	s5 =	simm.s32 $0xFFFFFFFF;
	p2 =	slt.u32 s8, $0xFFFFF086  }
0x1c: {  	p1 =	slt.u32 s9, $0xF7A;
	s5 =	simm.s32 @!p2 $0x0  }
0x1d: {  	s5 =	simm.s32 @p1 $0x1;
	p0 =	seq.s32 s7, s2  }
0x1e: {  	s7 =	smul.u32 @!p0 $0xF7A, s2;
	p2 =	seq.s32 @!p0 s5, $0x0  }
0x1f: {  	s9 =	smul.u32 $0xF7A, s1;
	s8 =	simm.s32 @!p0 $0x1BF5;
	p2 =	por !p2, p0  }
0x20: {  	[sflag:s8] =	ssyncset.s32 @!p0 $0xFFFFF086;
	s6 =	sadd.s32 @!p0 s3, s7;
	s7 =	simm.s32 @!p0 $0x108  }
0x21: {  	s3 =	sadd.s32 s3, s9;
	s6 =	sadd.s32 @!p0 $0x88, s6;
	s7 =	simm.s32 @p2 $0x1082  }
0x22: {  	[simem:s7], [sflag:s8] =	dma.local @!p0 [hbm:s6], $0xF7A  }
0x23: {  	s9 =	sor.u32 $0xD0000000, s2;
	s6 =	simm.s32 $0x108;
	_ =	swait.ge @!p0 [sflag:s8], $0x0  }
0x24: {  	s3 =	sadd.s32 $0x88, s3;
	s6 =	simm.s32 @!p1 $0x1082;
	[sflag:s4] =	ssyncset.s32 $0xFFFFF086  }
0x25: {  	[simem:s6], [sflag:s4] =	dma.local [hbm:s3], $0xF7A  }
0x26: {  	[smem:$0x3F9C] =	sst s1;
	(tag) =	ssettag s2;
	_ =	strace s9  }
0x27: {  	s1 =	sld [smem:$0x3FAC]  }
0x28: {  	s2 =	sld [smem:$0x3FAD]  }
0x29: {  	s4 =	sld [smem:$0x3FAF]  }
0x2a: {  	p0 =	seq.s32 s5, $0x0;
	s5 =	sld [smem:$0x3FB0]  }
0x2b: {  	s6 =	sld [smem:$0x3FB1]  }
0x2c: {  	s7 =	sld [smem:$0x3FB2]  }
0x2d: {  	s3 =	simm.s32 $0x108;
	s8 =	sld [smem:$0x3FB3]  }
0x2e: {  	s3 =	simm.s32 @!p0 $0x1082;
	s9 =	sld [smem:$0x3FB4]  }
0x2f: {  	lr =	sadd.s32 s0, s3;
	s0 =	sld [smem:$0x3FAB]  }
0x30: {  	s3 =	sld [smem:$0x3FAE]  }
0x31: {  	[smem:$0x3FB7] =	sst s10  }
0x32: {  	s10 =	sld [smem:$0x3FB5];
	_ =	sdelay $0x3  }
0x33: {  	p0 =	seq.s32 s10, $0x1;
	s10 =	sld [smem:$0x3FB7];
	_ =	sdelay $0x3  }
0x34: {  	[smem:$0x3FB7] =	sst s10  }
0x35: {  	s10 =	sld [smem:$0x3FB6];
	_ =	sdelay $0x3  }
0x36: {  	p1 =	seq.s32 s10, $0x1;
	s10 =	sld [smem:$0x3FB7];
	_ =	sdelay $0x3  }
0x37: {  	[smem:$0x3FB7] =	sst s10  }
0x38: {  	s10 =	sld [smem:$0x3FB8]  }
0x39: {  	_ = 	snop;
	(pc) =	sbr.ind lr, $3  }
0x3a: {  	_ = 	snop  }
0x3b: {  	_ = 	snop  }
0x3c: {  	p2 =	seq.s32 s10, $0x1;
	s10 =	sld [smem:$0x3FB7]  }
0x3d: {  	_ =	shalt  }
0x3e: {  	_ =	shalt  }
0x3f: {  	_ =	shalt  }
0x40: {  	_ =	shalt  }
0x41: {  	_ =	shalt  }
0x42: {  	_ =	shalt  }
0x43: {  	_ =	shalt  }
0x44: {  	_ =	shalt  }
0x45: {  	_ =	shalt  }
0x46: {  	_ =	shalt  }
0x47: {  	_ =	shalt  }
0x48: {  	_ =	shalt  }
0x49: {  	_ =	shalt  }
0x4a: {  	_ =	shalt  }
0x4b: {  	_ =	shalt  }
0x4c: {  	_ =	shalt  }
0x4d: {  	_ =	shalt  }
0x4e: {  	_ =	shalt  }
0x4f: {  	_ =	shalt  }
0x50: {  	_ =	shalt  }
0x51: {  	_ =	shalt  }
0x52: {  	_ =	shalt  }
0x53: {  	_ =	shalt  }
0x54: {  	_ =	shalt  }
0x55: {  	_ =	shalt  }
0x56: {  	_ =	shalt  }
0x57: {  	_ =	shalt  }
0x58: {  	_ =	shalt  }
0x59: {  	_ =	shalt  }
0x5a: {  	_ =	shalt  }
0x5b: {  	_ =	shalt  }
0x5c: {  	_ =	shalt  }
0x5d: {  	_ =	shalt  }
0x5e: {  	_ =	shalt  }
0x5f: {  	_ =	shalt  }
0x60: {  	_ =	shalt  }
0x61: {  	_ =	shalt  }
0x62: {  	_ =	shalt  }
0x63: {  	_ =	shalt  }
0x64: {  	_ =	shalt  }
0x65: {  	_ =	shalt  }
0x66: {  	_ =	shalt  }
0x67: {  	_ =	shalt  }
0x68: {  	_ =	shalt  }
0x69: {  	_ =	shalt  }
0x6a: {  	_ =	shalt  }
0x6b: {  	_ =	shalt  }
0x6c: {  	_ =	shalt  }
0x6d: {  	_ =	shalt  }
0x6e: {  	_ =	shalt  }
0x6f: {  	_ =	shalt  }
0x70: {  	_ =	shalt  }
0x71: {  	_ =	shalt  }
0x72: {  	_ =	shalt  }
0x73: {  	_ =	shalt  }
0x74: {  	_ =	shalt  }
0x75: {  	_ =	shalt  }
0x76: {  	_ =	shalt  }
0x77: {  	_ =	shalt  }
0x78: {  	_ =	shalt  }
0x79: {  	_ =	shalt  }
0x7a: {  	_ =	shalt  }
0x7b: {  	_ =	shalt  }
0x7c: {  	_ =	shalt  }
0x7d: {  	_ =	shalt  }
0x7e: {  	_ =	shalt  }
0x7f: {  	_ =	shalt  }
0x80: {  	_ =	shalt  }
0x81: {  	_ =	shalt  }
0x82: {  	_ =	shalt  }
0x83: {  	_ =	shalt  }
0x84: {  	_ =	shalt  }
0x85: {  	_ =	shalt  }
0x86: {  	_ =	shalt  }
0x87: {  	_ =	shalt  }
.Lfunc_end0:
.L_simem_size_0:
called_computation_lowered:
.L_overlay_start_0:
0x88: {  	s2 =	sld [smem:$0x3FD9]  }
0x89: {  	s3 =	sld [smem:$0x3FFE];
	_ =	sdelay $0x1  }
0x8a: {  	s1 =	srdreg.scid  }
0x8b: {  	s0 =	sand.u32 $0x1, s1  }
0x8c: {  	s17 =	sshll.u32 s0, $0xA;
	s2 =	sadd.s32 s3, s2  }
0x8d: {  	s2 =	sadd.s32 s2, s17  }
0x8e: {  	[smem:$0x3FC3] =	sst s2  }
0x8f: {  	_ = 	snop  }
0x90: {  	s2 =	sld [smem:$0x3FC9]  }
0x91: {  	s18 =	sld [smem:$0x3FD0];
	(tm) =	ssettm $0x1  }
0x92: {  	s4 =	sld [smem:$0x3FFB];
	_ =	sdelay $0x3  }
0x93: {  	_ =	strace s4  }
0x94: {  	s4 =	sld [smem:$0x3FFC];
	_ =	sdelay $0x3  }
0x95: {  	_ =	strace s4  }
0x96: {  	s4 =	sld [smem:$0x3FFD];
	_ =	sdelay $0x3  }
0x97: {  	_ =	strace s4  }
0x98: {  	_ =	strace $0x8FFFFFFF  }
0x99: {  	s19 =	sld [smem:$0x3FDB];
	_ =	sdelay $0x1  }
0x9a: {  	s5 =	simm.s32 $_scs_section_size  }
0x9b: {  	s6 =	simm.s32 $_size__tile_overlayer_lowered;
	s7 =	simm.s32 $_tile_overlayer_lowered  }
0x9c: {  	s22 =	simm.s32 $0x1BFF;
	s21 =	sshll.u32 s7, $0x1;
	s4 =	sadd.s32 s5, s19  }
0x9d: {  	s8 =	simm.s32 $0x0;
	s20 =	sshll.u32 s6, $0x1;
	s6 =	sadd.s32 s21, s4  }
0x9e: {  	[timem:s8], [sflag:s22] =	dma.local [hbm:s6], s20  }
0x9f: {  	_ =	swait.ge [sflag:s22], s20  }
0xa0: {  	s5 =	ssub.s32 $0x0, s20;
	[sflag:s22] =	ssyncset.done $0x0  }
0xa1: {  	[sflag:s22] =	ssyncadd.s32 s5;
	_ =	sdelay $0x1  }
0xa2: {  	s23 =	simm.s32 $0x1B8B  }
0xa3: {  	_ =	swait.ge [sflag:s23], $0x1  }
0xa4: {  	[sflag:s23] =	ssyncset.done $0x0  }
0xa5: {  	s25 =	simm.s32 $0x1B8E;
	s24 =	sld [smem:$0x3FFE];
	[sflag:s23] =	ssyncadd.s32 $0xFFFFFFFF  }
0xa6: {  	s26 =	simm.s32 $execute0_lowered;
	[smem:$0x3FD2] =	sst s25  }
0xa7: {  	s6 =	sshll.u32 s26, $0x1;
	_ =	strace $0x80000046;
	[dreg:$0x1] =	wrdreg $0xFFFFFFFF  }
0xa8: {  	s28 =	simm.s32 $_size_execute0_lowered;
	s4 =	sadd.s32 s4, s6;
	[dreg:$0x0] =	wrdreg $0x0  }
0xa9: {  	s6 =	sshll.u32 s28, $0x1;
	[dreg:$0x2] =	wrdreg s4  }
0xaa: {  	[dreg:$0x3] =	wrdreg s6  }
0xab: {  	[dreg:$0x4] =	wrdreg $0xC0  }
0xac: {  	_ =	task [dreg:s8], $0x5FFFF  }
0xad: {  	[dreg:$0x1] =	wrdreg $0xFFFFFFFF  }
0xae: {  	[dreg:$0x0] =	wrdreg $0x60  }
0xaf: {  	[dreg:$0x2] =	wrdreg s2  }
0xb0: {  	[dreg:$0x3] =	wrdreg s18  }
0xb1: {  	[dreg:$0x4] =	wrdreg s24  }
0xb2: {  	[dreg:$0x5] =	wrdreg $0xA8000  }
0xb3: {  	[dreg:$0x6] =	wrdreg $0x9  }
0xb4: {  	_ =	task.clear_ibuf [dreg:s8], $0x7FFFF;
	_ =	strace $0x90000046  }
0xb5: {  	s29 =	simm.s32 $0x9;
	_ =	strace $0x80000048  }
0xb6: {  	_ =	swait.ge [sflag:s29], $0x1  }
0xb7: {  	[sflag:s29] =	ssyncadd.s32 $0xFFFFFFFF  }
0xb8: {  	_ =	strace $0x90000048  }
0xb9: {  	_ =	sfence  }
0xba: {  	s30 =	sld [smem:$0x0];
	_ =	sdelay $0x2  }
0xbb: {  	s31 =	sshll.u32 s1, $0xD;
	s1 =	sshrl.u32 s1, $0x2  }
0xbc: {  	s3 =	sand.u32 $0x4000, s31;
	s1 =	sadd.s32 s1, s30  }
0xbd: {  	s0 =	sor.u32 s3, s0;
	s1 =	sshll.u32 s1, $0x11  }
0xbe: {  	s0 =	sor.u32 s1, s0  }
0xbf: {  	s0 =	sadd.s32 $0x8F2B, s0  }
0xc0: {  	[sflag:s0] =	ssyncadd.remote.s32 $0x1  }
0xc1: {  	_ =	sfence.sel $0xFFFF  }
0xc2: {  	[dreg:$0x0] =	wrdreg $0xFFFFFFFF;
	(pc) =	sbr.abs _section_cstart, $3  }
0xc3: {  	[dreg:$0x1] =	wrdreg $0xFFFFFFFF  }
0xc4: {  	_ =	task.clear_ibuf [dreg:s8], $0x2FFFF;
	_ =	strace $0x9FFFFFFF  }
0xc5: {  	(tm) =	ssettm $0x7FFFFFFF  }
tec
execute0_lowered:
.L_overlay_start_1:
0x0: {  	(tag) =	ssettag $0x1  }
0x1: {  	s1 =	rddreg [dreg:$0x0]  }
0x2: {  	s10 =	rddreg [dreg:$0x1]  }
0x3: {  	s5 =	rddreg [dreg:$0x2]  }
0x4: {  	s2 =	rddreg [dreg:$0x3];
	s3 =	srdreg.scid;
	s4 =	simm.s32 $0x0  }
0x5: {  	s17 =	simm.s32 $0x2800;
	s18 =	simm.s32 $0x5;
	s19 =	simm.s32 $0x1400  }
0x6: {  	s20 =	simm.s32 $0x7D;
	s21 =	simm.s32 $0x80;
	s22 =	simm.s32 $0x6800  }
0x7: {  	s23 =	simm.s32 $0x1;
	s24 =	simm.s32 $0x2;
	s25 =	simm.s32 $0x3  }
0x8: {  	s26 =	simm.s32 $0x4;
	s6 =	sand.u32 $0x1, s3;
	s3 =	stileid.u32  }
0x9: {  	s28 =	simm.s32 $0x2700;
	[smem:$0x7FF] =	sst s4;
	s7 =	smul.u32 $0x13C000, s6  }
0xa: {  	s29 =	simm.s32 $0x2780;
	s8 =	smul.u32 $0x13C00, s3;
	_ =	strace $0x80000047  }
0xb: {  	s30 =	sshll.u32 s6, $0x4;
	s9 =	smul.u32 $0x4F000, s3;
	s6 =	ssub.s32 $0x2, s6  }
0xc: {  	s11 =	sshrl.u32 s6, $0x1;
	s7 =	sadd.s32 s8, s7;
	s8 =	sor.u32 s3, s30  }
0xd: {  	s9 =	sshrl.u32 s9, $0x2;
	s16 =	ssub.s32 s6, s11;
	s7 =	sshrl.u32 s7, $0x3  }
0xe: {  	s8 =	smul.u32 $0x2800, s8;
	s15 =	sadd.s32 s7, s5;
	s5 =	sadd.s32 s9, s2  }
0xf: {  	s16 =	smax.u32 s16, $0x1;
	s6 =	sadd.s32 $0x3C00, s5;
	s7 =	sadd.s32 $0x7800, s5  }
0x10: {  	s31 =	sshrl.u32 s8, $0x3;
	s8 =	sadd.s32 $0xB400, s5;
	s9 =	sadd.s32 $0xF000, s5  }
0x11: {  	s11 =	sadd.s32 $0x12C00, s5;
	s15 =	sadd.s32 $0x1400, s15;
	s10 =	sadd.s32 s10, s31  }
0x12: {  	v0 =	vimm.f32 $0.0e+00;
	s12 =	sadd.s32 $0xA000, s10;
	s13 =	sadd.s32 $0x280, s10;
	s14 =	sadd.s32 $0xA280, s10  }
.LBB2_1:
0x13: {  	s30 =	simm.s32 $0x0;
	s31 =	simm.s32 $0x200  }
.LBB2_2:
0x14: {  	p0 =	sne.s32 s31, $0xEE00;
	[tilespmem:s30+$0x2870] =	vst v0  }
0x15: {  	[tilespmem:s30+$0x2800] =	vst v0  }
0x16: {  	[tilespmem:s30+$0x2810] =	vst v0  }
.Ltmp0:
0x17: {  	[tilespmem:s30+$0x2820] =	vst v0;
	(pc) =	sbr.rel @p0 .LBB2_2-.Ltmp0, $4  }
0x18: {  	[tilespmem:s30+$0x2830] =	vst v0  }
0x19: {  	[tilespmem:s30+$0x2840] =	vst v0  }
0x1a: {  	[tilespmem:s30+$0x2850] =	vst v0  }
0x1b: {  	[tilespmem:s30+$0x2860] =	vst v0;
	s30 =	sshra.s32 s31, $0x2;
	s31 =	sadd.s32 $0x200, s31  }
0x1c: {  	[tilespmem:s30+$0x2870] =	vst v0  }
0x1d: {  	[tilespmem:s30+$0x2800] =	vst v0  }
0x1e: {  	[tilespmem:s30+$0x2810] =	vst v0  }
0x1f: {  	[tilespmem:s30+$0x2820] =	vst v0  }
0x20: {  	[tilespmem:s30+$0x2830] =	vst v0  }
0x21: {  	[tilespmem:s30+$0x2840] =	vst v0  }
0x22: {  	[tilespmem:s30+$0x2850] =	vst v0  }
0x23: {  	[tilespmem:s30+$0x2860] =	vst v0  }
0x24: {  	[spmem:s5] =	stream.linear.scatter [tilespmem:s17], [sflag:$0x5], $0x3C00, $0x38;
	[tilespmem:$0x1E400] =	vst v63  }
0x25: {  	_ =	swait.ge [sflag:s18], $0x3C00  }
0x26: {  	[sflag:s18] =	ssyncset.done $0x0  }
0x27: {  	[sflag:s18] =	ssyncadd.s32 $0xFFFFC400  }
0x28: {  	[spmem:s6] =	stream.linear.scatter [tilespmem:s17], [sflag:$0x5], $0x3C00, $0x38;
	[tilespmem:$0x1E400] =	vst v63  }
0x29: {  	_ =	swait.ge [sflag:s18], $0x3C00  }
0x2a: {  	[sflag:s18] =	ssyncset.done $0x0  }
0x2b: {  	[sflag:s18] =	ssyncadd.s32 $0xFFFFC400  }
0x2c: {  	[spmem:s7] =	stream.linear.scatter [tilespmem:s17], [sflag:$0x5], $0x3C00, $0x38;
	[tilespmem:$0x1E400] =	vst v63  }
0x2d: {  	_ =	swait.ge [sflag:s18], $0x3C00  }
0x2e: {  	[sflag:s18] =	ssyncset.done $0x0  }
0x2f: {  	[sflag:s18] =	ssyncadd.s32 $0xFFFFC400  }
0x30: {  	[spmem:s8] =	stream.linear.scatter [tilespmem:s17], [sflag:$0x5], $0x3C00, $0x38;
	[tilespmem:$0x1E400] =	vst v63  }
0x31: {  	_ =	swait.ge [sflag:s18], $0x3C00  }
0x32: {  	[sflag:s18] =	ssyncset.done $0x0  }
0x33: {  	[sflag:s18] =	ssyncadd.s32 $0xFFFFC400  }
0x34: {  	[spmem:s9] =	stream.linear.scatter [tilespmem:s17], [sflag:$0x5], $0x3C00, $0x38;
	[tilespmem:$0x1E400] =	vst v63  }
0x35: {  	_ =	swait.ge [sflag:s18], $0x3C00  }
0x36: {  	[sflag:s18] =	ssyncset.done $0x0  }
0x37: {  	[sflag:s18] =	ssyncadd.s32 $0xFFFFC400  }
0x38: {  	[spmem:s11] =	stream.linear.scatter [tilespmem:s17], [sflag:$0x5], $0x1000, $0x38;
	[tilespmem:$0x1E400] =	vst v63  }
0x39: {  	_ =	swait.ge [sflag:s18], $0x1000  }
0x3a: {  	[sflag:s18] =	ssyncset.done $0x0  }
0x3b: {  	[sflag:s18] =	ssyncadd.s32 $0xFFFFF000  }
0x3c: {  	s30 =	simm.s32 $0x0;
	[bflag:$0x0] =	sbarrier.arrive $0xFFFF  }
0x3d: {  	[tilespmem:s30], [sflag:$0x5] =	stream.linear.gather [hbm4b:s10+s30], $0x1400, $0x38;
	[tilespmem:$0x1E400] =	vst v63  }
0x3e: {  	_ =	swait.ge [sflag:s18], $0x1400  }
0x3f: {  	[sflag:s18] =	ssyncset.done $0x0  }
0x40: {  	[sflag:s18] =	ssyncadd.s32 $0xFFFFEC00  }
0x41: {  	[tilespmem:s19], [sflag:$0x5] =	stream.linear.gather [hbm4b:s12+s30], $0x1400, $0x38;
	[tilespmem:$0x1E400] =	vst v63  }
0x42: {  	_ =	swait.ge [sflag:s18], $0x1400  }
0x43: {  	[sflag:s18] =	ssyncset.done $0x0  }
0x44: {  	[sflag:s18] =	ssyncadd.s32 $0xFFFFEC00  }
0x45: {  	[tilespmem:s17], [sflag:$0x1] =	stream.indirect.gather [hbm4b:s1+s20], $0x80, s30, s20, $0xb8;
	[tilespmem:$0x1E400] =	vst v63  }
0x46: {  	_ = 	snop  }
0x47: {  	[tilespmem:s22], [sflag:$0x2] =	stream.indirect.gather [hbm4b:s1+s20], $0x80, s21, s20, $0xb8;
	[tilespmem:$0x1E400] =	vst v63  }
0x48: {  	_ =	swait.ge [sflag:s23], $0x3E80  }
0x49: {  	[sflag:s23] =	ssyncset.done $0x0  }
0x4a: {  	s30 =	simm.s32 $0x1400;
	[sflag:s23] =	ssyncadd.s32 $0xFFFFC180  }
0x4b: {  	[spmem:s2] =	stream.indirect.scatter.add.f32 [tilespmem:s17], [sflag:$0x3], $0x80, s30, s20, $0xb8;
	[tilespmem:$0x1E400] =	vst v63  }
0x4c: {  	_ =	swait.ge [sflag:s24], $0x3E80  }
0x4d: {  	[sflag:s24] =	ssyncset.done $0x0  }
0x4e: {  	s30 =	simm.s32 $0x1480;
	[sflag:s24] =	ssyncadd.s32 $0xFFFFC180  }
0x4f: {  	[spmem:s2] =	stream.indirect.scatter.add.f32 [tilespmem:s22], [sflag:$0x4], $0x80, s30, s20, $0xb8;
	[tilespmem:$0x1E400] =	vst v63  }
0x50: {  	_ =	swait.ge [sflag:s25], $0x3E80  }
0x51: {  	[sflag:s25] =	ssyncset.done $0x0  }
0x52: {  	s30 =	simm.s32 $0x100;
	[sflag:s25] =	ssyncadd.s32 $0xFFFFC180  }
0x53: {  	[tilespmem:s17], [sflag:$0x1] =	stream.indirect.gather [hbm4b:s1+s20], $0x80, s30, s20, $0xb8;
	[tilespmem:$0x1E400] =	vst v63  }
0x54: {  	_ =	swait.ge [sflag:s26], $0x3E80  }
0x55: {  	[sflag:s26] =	ssyncset.done $0x0  }
0x56: {  	s31 =	simm.s32 $0x180;
	s30 =	simm.s32 $0x400;
	[sflag:s26] =	ssyncadd.s32 $0xFFFFC180  }
.LBB2_4:
0x57: {  	[tilespmem:s22], [sflag:$0x2] =	stream.indirect.gather [hbm4b:s1+s20], $0x80, s31, s20, $0xb8;
	[tilespmem:$0x1E400] =	vst v63  }
0x58: {  	s31 =	smov.u32 s30  }
0x59: {  	p0 =	sne.s32 s30, $0x4800;
	s30 =	sadd.s32 $0x400, s30;
	_ =	swait.ge [sflag:s23], $0x3E80  }
0x5a: {  	s31 =	sshra.s32 s31, $0x2;
	[sflag:s23] =	ssyncset.done $0x0  }
0x5b: {  	s0 =	sadd.s32 $0x1400, s31;
	[sflag:s23] =	ssyncadd.s32 $0xFFFFC180  }
0x5c: {  	[spmem:s2] =	stream.indirect.scatter.add.f32 [tilespmem:s17], [sflag:$0x3], $0x80, s0, s20, $0xb8;
	[tilespmem:$0x1E400] =	vst v63  }
0x5d: {  	_ =	swait.ge [sflag:s24], $0x3E80  }
0x5e: {  	[sflag:s24] =	ssyncset.done $0x0  }
0x5f: {  	s0 =	sadd.s32 $0x1480, s31;
	[sflag:s24] =	ssyncadd.s32 $0xFFFFC180  }
0x60: {  	[spmem:s2] =	stream.indirect.scatter.add.f32 [tilespmem:s22], [sflag:$0x4], $0x80, s0, s20, $0xb8;
	[tilespmem:$0x1E400] =	vst v63  }
0x61: {  	_ =	swait.ge [sflag:s25], $0x3E80  }
0x62: {  	[sflag:s25] =	ssyncset.done $0x0  }
.Ltmp1:
0x63: {  	s0 =	sadd.s32 $0x100, s31;
	[sflag:s25] =	ssyncadd.s32 $0xFFFFC180;
	(pc) =	sbr.rel @p0 .LBB2_4-.Ltmp1, $4  }
0x64: {  	[tilespmem:s17], [sflag:$0x1] =	stream.indirect.gather [hbm4b:s1+s20], $0x80, s0, s20, $0xb8;
	[tilespmem:$0x1E400] =	vst v63  }
0x65: {  	_ =	swait.ge [sflag:s26], $0x3E80  }
0x66: {  	[sflag:s26] =	ssyncset.done $0x0  }
0x67: {  	s31 =	sadd.s32 $0x180, s31;
	[sflag:s26] =	ssyncadd.s32 $0xFFFFC180  }
0x68: {  	[tilespmem:s22], [sflag:$0x2] =	stream.indirect.gather [hbm4b:s1+s20], $0x80, s31, s20, $0xb8;
	[tilespmem:$0x1E400] =	vst v63  }
0x69: {  	_ =	swait.ge [sflag:s23], $0x3E80  }
0x6a: {  	[sflag:s23] =	ssyncset.done $0x0  }
0x6b: {  	[sflag:s23] =	ssyncadd.s32 $0xFFFFC180  }
0x6c: {  	[spmem:s2] =	stream.indirect.scatter.add.f32 [tilespmem:s17], [sflag:$0x3], $0x80, s28, s20, $0xb8;
	[tilespmem:$0x1E400] =	vst v63  }
0x6d: {  	_ =	swait.ge [sflag:s24], $0x3E80  }
0x6e: {  	[sflag:s24] =	ssyncset.done $0x0  }
0x6f: {  	[sflag:s24] =	ssyncadd.s32 $0xFFFFC180  }
0x70: {  	[spmem:s2] =	stream.indirect.scatter.add.f32 [tilespmem:s22], [sflag:$0x4], $0x80, s29, s20, $0xb8;
	[tilespmem:$0x1E400] =	vst v63  }
0x71: {  	_ =	swait.ge [sflag:s25], $0x3E80  }
0x72: {  	[sflag:s25] =	ssyncset.done $0x0  }
0x73: {  	[sflag:s25] =	ssyncadd.s32 $0xFFFFC180  }
0x74: {  	_ =	swait.ge [sflag:s26], $0x3E80  }
0x75: {  	[sflag:s26] =	ssyncset.done $0x0  }
0x76: {  	s0 =	simm.s32 $0x0;
	[sflag:s26] =	ssyncadd.s32 $0xFFFFC180  }
0x77: {  	[tilespmem:s0], [sflag:$0x5] =	stream.linear.gather [hbm4b:s13+s0], $0x1400, $0x38;
	[tilespmem:$0x1E400] =	vst v63  }
0x78: {  	_ =	swait.ge [sflag:s18], $0x1400  }
0x79: {  	[sflag:s18] =	ssyncset.done $0x0  }
0x7a: {  	[sflag:s18] =	ssyncadd.s32 $0xFFFFEC00  }
0x7b: {  	[tilespmem:s19], [sflag:$0x5] =	stream.linear.gather [hbm4b:s14+s0], $0x1400, $0x38;
	[tilespmem:$0x1E400] =	vst v63  }
0x7c: {  	_ =	swait.ge [sflag:s18], $0x1400  }
0x7d: {  	[sflag:s18] =	ssyncset.done $0x0  }
0x7e: {  	[sflag:s18] =	ssyncadd.s32 $0xFFFFEC00  }
0x7f: {  	[tilespmem:s17], [sflag:$0x1] =	stream.indirect.gather [hbm4b:s1+s20], $0x80, s0, s20, $0xb8;
	[tilespmem:$0x1E400] =	vst v63  }
0x80: {  	_ = 	snop  }
0x81: {  	[tilespmem:s22], [sflag:$0x2] =	stream.indirect.gather [hbm4b:s1+s20], $0x80, s21, s20, $0xb8;
	[tilespmem:$0x1E400] =	vst v63  }
0x82: {  	_ =	swait.ge [sflag:s23], $0x3E80  }
0x83: {  	[sflag:s23] =	ssyncset.done $0x0  }
0x84: {  	s0 =	simm.s32 $0x1400;
	[sflag:s23] =	ssyncadd.s32 $0xFFFFC180  }
0x85: {  	[spmem:s2] =	stream.indirect.scatter.add.f32 [tilespmem:s17], [sflag:$0x3], $0x80, s0, s20, $0xb8;
	[tilespmem:$0x1E400] =	vst v63  }
0x86: {  	_ =	swait.ge [sflag:s24], $0x3E80  }
0x87: {  	[sflag:s24] =	ssyncset.done $0x0  }
0x88: {  	s0 =	simm.s32 $0x1480;
	[sflag:s24] =	ssyncadd.s32 $0xFFFFC180  }
0x89: {  	[spmem:s2] =	stream.indirect.scatter.add.f32 [tilespmem:s22], [sflag:$0x4], $0x80, s0, s20, $0xb8;
	[tilespmem:$0x1E400] =	vst v63  }
0x8a: {  	_ =	swait.ge [sflag:s25], $0x3E80  }
0x8b: {  	[sflag:s25] =	ssyncset.done $0x0  }
0x8c: {  	s0 =	simm.s32 $0x100;
	[sflag:s25] =	ssyncadd.s32 $0xFFFFC180  }
0x8d: {  	[tilespmem:s17], [sflag:$0x1] =	stream.indirect.gather [hbm4b:s1+s20], $0x80, s0, s20, $0xb8;
	[tilespmem:$0x1E400] =	vst v63  }
0x8e: {  	_ =	swait.ge [sflag:s26], $0x3E80  }
0x8f: {  	[sflag:s26] =	ssyncset.done $0x0  }
0x90: {  	s30 =	simm.s32 $0x400;
	s31 =	simm.s32 $0x180;
	[sflag:s26] =	ssyncadd.s32 $0xFFFFC180  }
.LBB2_6:
0x91: {  	[tilespmem:s22], [sflag:$0x2] =	stream.indirect.gather [hbm4b:s1+s20], $0x80, s31, s20, $0xb8;
	[tilespmem:$0x1E400] =	vst v63  }
0x92: {  	s0 =	smov.u32 s30  }
0x93: {  	p0 =	sne.s32 s30, $0x4800;
	s30 =	sadd.s32 $0x400, s30;
	_ =	swait.ge [sflag:s23], $0x3E80  }
0x94: {  	s0 =	sshra.s32 s0, $0x2;
	[sflag:s23] =	ssyncset.done $0x0  }
0x95: {  	s31 =	sadd.s32 $0x1400, s0;
	[sflag:s23] =	ssyncadd.s32 $0xFFFFC180  }
0x96: {  	[spmem:s2] =	stream.indirect.scatter.add.f32 [tilespmem:s17], [sflag:$0x3], $0x80, s31, s20, $0xb8;
	[tilespmem:$0x1E400] =	vst v63  }
0x97: {  	_ =	swait.ge [sflag:s24], $0x3E80  }
0x98: {  	[sflag:s24] =	ssyncset.done $0x0  }
0x99: {  	s31 =	sadd.s32 $0x1480, s0;
	[sflag:s24] =	ssyncadd.s32 $0xFFFFC180  }
0x9a: {  	[spmem:s2] =	stream.indirect.scatter.add.f32 [tilespmem:s22], [sflag:$0x4], $0x80, s31, s20, $0xb8;
	[tilespmem:$0x1E400] =	vst v63  }
0x9b: {  	_ =	swait.ge [sflag:s25], $0x3E80  }
0x9c: {  	[sflag:s25] =	ssyncset.done $0x0  }
.Ltmp2:
0x9d: {  	s31 =	sadd.s32 $0x100, s0;
	[sflag:s25] =	ssyncadd.s32 $0xFFFFC180;
	(pc) =	sbr.rel @p0 .LBB2_6-.Ltmp2, $4  }
0x9e: {  	[tilespmem:s17], [sflag:$0x1] =	stream.indirect.gather [hbm4b:s1+s20], $0x80, s31, s20, $0xb8;
	[tilespmem:$0x1E400] =	vst v63  }
0x9f: {  	_ =	swait.ge [sflag:s26], $0x3E80  }
0xa0: {  	[sflag:s26] =	ssyncset.done $0x0  }
0xa1: {  	s31 =	sadd.s32 $0x180, s0;
	[sflag:s26] =	ssyncadd.s32 $0xFFFFC180  }
0xa2: {  	[tilespmem:s22], [sflag:$0x2] =	stream.indirect.gather [hbm4b:s1+s20], $0x80, s31, s20, $0xb8;
	[tilespmem:$0x1E400] =	vst v63  }
0xa3: {  	_ =	swait.ge [sflag:s23], $0x3E80  }
0xa4: {  	[sflag:s23] =	ssyncset.done $0x0  }
0xa5: {  	[sflag:s23] =	ssyncadd.s32 $0xFFFFC180  }
0xa6: {  	[spmem:s2] =	stream.indirect.scatter.add.f32 [tilespmem:s17], [sflag:$0x3], $0x80, s28, s20, $0xb8;
	[tilespmem:$0x1E400] =	vst v63  }
0xa7: {  	_ =	swait.ge [sflag:s24], $0x3E80  }
0xa8: {  	[sflag:s24] =	ssyncset.done $0x0  }
0xa9: {  	[sflag:s24] =	ssyncadd.s32 $0xFFFFC180  }
0xaa: {  	[spmem:s2] =	stream.indirect.scatter.add.f32 [tilespmem:s22], [sflag:$0x4], $0x80, s29, s20, $0xb8;
	[tilespmem:$0x1E400] =	vst v63  }
0xab: {  	_ =	swait.ge [sflag:s25], $0x3E80  }
0xac: {  	[sflag:s25] =	ssyncset.done $0x0  }
0xad: {  	[sflag:s25] =	ssyncadd.s32 $0xFFFFC180  }
0xae: {  	_ =	swait.ge [sflag:s26], $0x3E80  }
0xaf: {  	s0 =	sshll.u32 s3, $0x6;
	s4 =	sadd.s32 $0x1, s4;
	[sflag:s26] =	ssyncset.done $0x0  }
0xb0: {  	s30 =	sshrl.u32 s5, $0x3;
	p0 =	sne.s32 s4, s16;
	[sflag:s26] =	ssyncadd.s32 $0xFFFFC180  }
.Ltmp3:
0xb1: {  	s0 =	sor.u32 $0x1C05, s0;
	[bflag:$0x0] =	sbarrier.arrive $0xFFFF;
	(pc) =	sbr.rel @p0 .LBB2_1-.Ltmp3, $4  }
0xb2: {  	[hbm:s15], [sflag:s0] =	dma.local [spmem:s30], $0x2780  }
0xb3: {  	_ =	swait.ge [sflag:s18], $0x2780  }
0xb4: {  	[sflag:s18] =	ssyncset.done $0x0  }
0xb5: {  	[sflag:s18] =	ssyncadd.s32 $0xFFFFD880  }
0xb6: {  	_ =	sfence.sel $0x180000  }
0xb7: {  	[bflag:$0x0] =	sbarrier.arrive $0xFFFF  }
0xb8: {  	_ =	strace $0x90000047  }
0xb9: {  	[bflag:$0x2] =	sbarrier.arrive $0xFFFF  }
0xba: {  	p0 =	sne.s32 s3, $0x0;
	s0 =	rddreg [dreg:$0x4]  }
0xbb: {  	s0 =	sadd.s32 @!p0 $0x100000, s0  }
0xbc: {  	[sflag:s0] =	ssyncadd.tile.s32 @!p0 $0x1;
	_ =	shalt  }
.Lfunc_end2:
_tile_overlayer_lowered:
.L_overlay_start_2:
0xbd: {  	(tag) =	ssettag $0x2  }
0xbe: {  	s0 =	rddreg [dreg:$0x0];
	s2 =	stileid.u32  }
0xbf: {  	s1 =	rddreg [dreg:$0x1];
	p0 =	sne.s32 s2, $0x0  }
0xc0: {  	s3 =	rddreg [dreg:$0x2];
	[bflag:$0x3] =	sbarrier.arrive $0xFFFF;
	s2 =	simm.s32 @!p0 $0x1C05  }
0xc1: {  	[timem:s3], [sflag:s2] =	dma.local @!p0 [hbm:s0], s1  }
0xc2: {  	s0 =	simm.s32 @!p0 $0x5  }
0xc3: {  	_ =	swait.ge @!p0 [sflag:s0], s1  }
0xc4: {  	s1 =	ssub.s32 @!p0 $0x0, s1;
	[sflag:s0] =	ssyncset.done @!p0 $0x0  }
0xc5: {  	[sflag:s0] =	ssyncadd.s32 @!p0 s1  }
0xc6: {  	[bflag:$0x3] =	sbarrier.arrive $0xFFFF  }
0xc7: {  	_ =	shalt  }

</sc_bundles>
